<compile_context>
chip_gen: v7x
topology: tpu7x:2x2x1
jax: 0.10.2.dev20260603
libtpu: 0.0.44.dev20260713+nightly
codegen_flags: <defaults>
</compile_context>

<pallas_src>
import jax
import jax.numpy as jnp
from jax import lax
from jax.experimental import pallas as pl
from jax.experimental.pallas import tpu as pltpu
from jax.experimental.pallas import tpu_sc as plsc

L = 20
B = 16384
NC = 2
NS = 16
LANES = 16
NW = NC * NS
BPW = B // NW
NCH = 2
CW = BPW // NCH
NVC = CW // LANES

_LN2 = 0.6931471805599453
_SQRT2 = 1.4142135623730951

_LOG_COEFFS = (
    7.0376836292e-2, -1.1514610310e-1, 1.1676998740e-1, -1.2420140846e-1,
    1.4249322787e-1, -1.6668057665e-1, 2.0000714765e-1, -2.4999993993e-1,
    3.3333331174e-1,
)


TCC = 4
COLW = B // TCC


def _or_tree(rows):
    bits = [rows[0]]
    bits += [lax.shift_left(rows[l], l) for l in range(1, L)]
    while len(bits) > 1:
        bits = [bits[i] | bits[i + 1] for i in range(0, len(bits) - 1, 2)] \
               + ([bits[-1]] if len(bits) % 2 else [])
    return bits[0]


def _idx_body(s_any, idx_any, s_v, idx_v, sin, sout):
    loads = [
        pltpu.make_async_copy(s_any.at[:, pl.ds(c * COLW, COLW)],
                              s_v.at[c], sin.at[c])
        for c in range(TCC)
    ]
    for ld in loads:
        ld.start()
    stores = [None] * TCC
    for c in range(TCC):
        loads[c].wait()
        idx_v[pl.ds(c * COLW, COLW)] = _or_tree(
            [s_v[c, l] for l in range(L)])
        stores[c] = pltpu.make_async_copy(
            idx_v.at[pl.ds(c * COLW, COLW)],
            idx_any.at[pl.ds(c * COLW, COLW)], sout.at[c])
        stores[c].start()
    for c in range(TCC):
        stores[c].wait()


_idx_call = pl.pallas_call(
    _idx_body,
    in_specs=[pl.BlockSpec(memory_space=pl.ANY)],
    out_specs=pl.BlockSpec(memory_space=pl.ANY),
    out_shape=jax.ShapeDtypeStruct((B,), jnp.int32),
    scratch_shapes=[
        pltpu.VMEM((TCC, L, COLW), jnp.int32),
        pltpu.VMEM((B,), jnp.int32),
        pltpu.SemaphoreType.DMA((TCC,)),
        pltpu.SemaphoreType.DMA((TCC,)),
    ],
)


def _log16(x):
    bits = lax.bitcast_convert_type(x, jnp.int32)
    e = lax.shift_right_logical(bits, 23) - 127
    m = lax.bitcast_convert_type((bits & 0x7FFFFF) | 0x3F800000, jnp.float32)
    big = m > _SQRT2
    m = jnp.where(big, m * 0.5, m)
    e = jnp.where(big, e + 1, e)
    f = m - 1.0
    z = f * f
    p = jnp.full((LANES,), _LOG_COEFFS[0], jnp.float32)
    for c in _LOG_COEFFS[1:]:
        p = p * f + c
    y = f * z * p - 0.5 * z
    return (f + y) + e.astype(jnp.float32) * _LN2


def _sc_body(idx_hbm, table_hbm, out_hbm, idx_v, val_v, isem, gsem, osem):
    wid = lax.axis_index("s") * NC + lax.axis_index("c")
    base = wid * BPW

    iloads = [
        pltpu.async_copy(idx_hbm.at[pl.ds(base + c * CW, CW)],
                         idx_v.at[pl.ds(c * CW, CW)], isem.at[c])
        for c in range(NCH)
    ]

    def compute_log(c):
        def body(v, carry):
            off = c * CW + v * LANES
            val_v[pl.ds(off, LANES)] = _log16(val_v[pl.ds(off, LANES)])
            return carry
        lax.fori_loop(0, NVC, body, 0)

    gathers = [None] * NCH
    for c in range(NCH):
        iloads[c].wait()
        gathers[c] = pltpu.async_copy(
            table_hbm.at[idx_v.at[pl.ds(c * CW, CW)]],
            val_v.at[pl.ds(c * CW, CW)], gsem.at[c])

    stores = [None] * NCH
    for c in range(NCH):
        gathers[c].wait()
        compute_log(c)
        stores[c] = pltpu.async_copy(
            val_v.at[pl.ds(c * CW, CW)],
            out_hbm.at[pl.ds(base + c * CW, CW)], osem.at[c])
    for c in range(NCH):
        stores[c].wait()


_sc_call = pl.kernel(
    _sc_body,
    out_type=jax.ShapeDtypeStruct((B,), jnp.float32),
    mesh=plsc.VectorSubcoreMesh(core_axis_name="c", subcore_axis_name="s"),
    scratch_types=[
        pltpu.VMEM((BPW,), jnp.int32),
        pltpu.VMEM((BPW,), jnp.float32),
        pltpu.SemaphoreType.DMA((NCH,)),
        pltpu.SemaphoreType.DMA((NCH,)),
        pltpu.SemaphoreType.DMA((NCH,)),
    ],
)


def kernel(s, table):
    idx = _idx_call(s.astype(jnp.int32))
    return _sc_call(idx, table)

# --- scband reference (transcript-rebuilt; emitter-appended) ---
"""Pipeline reference for scband-target-67207648248220 (READ-ONLY COPY).

The authoritative reference and input builder live on the scoring server;
editing this copy changes nothing except your own understanding.
"""

import jax, jax.numpy as jnp
import numpy as np

L = 20
D = 2.0

def setup_inputs(seed: int = 0) -> dict:
    key = jax.random.key(seed)
    k1, _ = jax.random.split(key)
    s = jax.random.randint(k1, (L, 16384), 0, 2, dtype=jnp.int64)
    kernel = jnp.ones((int(D ** L),), dtype=jnp.float32)  # nn.initializers.constant(1)
    return {"s": s, "kernel": kernel}

def reference(s, kernel):
    powers = D ** jnp.arange(L)  # float32 [L]
    idx = powers.dot(s.astype(jnp.float32)).astype(jnp.int32)  # [B]
    return jnp.log(kernel[idx])

if __name__ == "__main__":
    import jax
    _d = setup_inputs()
    print(jax.jit(kernel)(*tuple(_d.values())))

</pallas_src>

<mosaic_0001>
#map = affine_map<(d0, d1) -> (0)>
module attributes {stable_mosaic.version = 14 : i64} {
  func.func @_sc_body(%arg0: i32, %arg1: i32, %arg2: memref<16384xi32, #tpu.memory_space<hbm>>, %arg3: memref<1048576xf32, #tpu.memory_space<hbm>>, %arg4: memref<16384xf32, #tpu.memory_space<hbm>>, %arg5: memref<512xi32, #tpu.memory_space<vmem>>, %arg6: memref<512xf32, #tpu.memory_space<vmem>>, %arg7: memref<2x!tpu.dma_semaphore, #tpu.memory_space<semaphore_mem>>, %arg8: memref<2x!tpu.dma_semaphore, #tpu.memory_space<semaphore_mem>>, %arg9: memref<2x!tpu.dma_semaphore, #tpu.memory_space<semaphore_mem>>) attributes {dimension_semantics = [#tpu.dimension_semantics<core_parallel>, #tpu.dimension_semantics<subcore_parallel>], iteration_bounds = array<i64: 2, 16>, scalar_prefetch = 0 : i64, scratch_operands = 5 : i64, tpu.core_type = #tpu.core_type<sc_vector_subcore>, window_params = [{transform_indices = #map}, {transform_indices = #map}, {transform_indices = #map}]} {
    %mul3A = arith.constant 2 : i32
    %mul3A_0 = arith.muli %arg1, %mul3A : i32
    %add3A = arith.addi %mul3A_0, %arg0 : i32
    %mul3A_1 = arith.constant 512 : i32
    %mul3A_2 = arith.muli %add3A, %mul3A_1 : i32
    %add3A_3 = arith.constant 0 : i32
    %add3A_4 = arith.addi %mul3A_2, %add3A_3 : i32
    %dma_start3A = arith.constant 0 : i32
    %dma_start3A_5 = arith.constant 0 : i32
    %dma_start3A_6 = tpu.memref_slice %arg5[%dma_start3A_5] : memref<512xi32, #tpu.memory_space<vmem>> -> memref<256xi32, #tpu.memory_space<vmem>>
    %dma_start3A_7 = tpu.memref_slice %arg2[%add3A_4] : memref<16384xi32, #tpu.memory_space<hbm>> -> memref<256xi32, #tpu.memory_space<hbm>>
    %dma_start3A_8 = tpu.memref_slice %arg7[%dma_start3A] : memref<2x!tpu.dma_semaphore, #tpu.memory_space<semaphore_mem>> -> memref<1x!tpu.dma_semaphore, #tpu.memory_space<semaphore_mem>>
    %dma_start3A_9 = tpu.memref_squeeze %dma_start3A_8 : memref<1x!tpu.dma_semaphore, #tpu.memory_space<semaphore_mem>> -> memref<!tpu.dma_semaphore, #tpu.memory_space<semaphore_mem>>
    %dma_start3A_10 = arith.constant 0 : i32
    %dma_start3A_11 = tpu.memref_slice %arg5[%dma_start3A_10] : memref<512xi32, #tpu.memory_space<vmem>> -> memref<256xi32, #tpu.memory_space<vmem>>
    %dma_start3A_12 = tpu.memref_slice %arg2[%add3A_4] : memref<16384xi32, #tpu.memory_space<hbm>> -> memref<256xi32, #tpu.memory_space<hbm>>
    tpu.enqueue_dma source(%dma_start3A_12 : memref<256xi32, #tpu.memory_space<hbm>>) target(%dma_start3A_11 : memref<256xi32, #tpu.memory_space<vmem>>) target_semaphore(%dma_start3A_9 : memref<!tpu.dma_semaphore, #tpu.memory_space<semaphore_mem>>)
    %add3A_13 = arith.constant 256 : i32
    %add3A_14 = arith.addi %mul3A_2, %add3A_13 : i32
    %dma_start3A_15 = arith.constant 1 : i32
    %dma_start3A_16 = arith.constant 256 : i32
    %dma_start3A_17 = tpu.memref_slice %arg5[%dma_start3A_16] : memref<512xi32, #tpu.memory_space<vmem>> -> memref<256xi32, #tpu.memory_space<vmem>>
    %dma_start3A_18 = tpu.memref_slice %arg2[%add3A_14] : memref<16384xi32, #tpu.memory_space<hbm>> -> memref<256xi32, #tpu.memory_space<hbm>>
    %dma_start3A_19 = tpu.memref_slice %arg7[%dma_start3A_15] : memref<2x!tpu.dma_semaphore, #tpu.memory_space<semaphore_mem>> -> memref<1x!tpu.dma_semaphore, #tpu.memory_space<semaphore_mem>>
    %dma_start3A_20 = tpu.memref_squeeze %dma_start3A_19 : memref<1x!tpu.dma_semaphore, #tpu.memory_space<semaphore_mem>> -> memref<!tpu.dma_semaphore, #tpu.memory_space<semaphore_mem>>
    %dma_start3A_21 = arith.constant 256 : i32
    %dma_start3A_22 = tpu.memref_slice %arg5[%dma_start3A_21] : memref<512xi32, #tpu.memory_space<vmem>> -> memref<256xi32, #tpu.memory_space<vmem>>
    %dma_start3A_23 = tpu.memref_slice %arg2[%add3A_14] : memref<16384xi32, #tpu.memory_space<hbm>> -> memref<256xi32, #tpu.memory_space<hbm>>
    tpu.enqueue_dma source(%dma_start3A_23 : memref<256xi32, #tpu.memory_space<hbm>>) target(%dma_start3A_22 : memref<256xi32, #tpu.memory_space<vmem>>) target_semaphore(%dma_start3A_20 : memref<!tpu.dma_semaphore, #tpu.memory_space<semaphore_mem>>)
    %dma_wait3A = arith.constant 0 : i32
    %dma_wait3A_24 = arith.constant 0 : i32
    %dma_wait3A_25 = tpu.memref_slice %arg5[%dma_wait3A_24] : memref<512xi32, #tpu.memory_space<vmem>> -> memref<256xi32, #tpu.memory_space<vmem>>
    %dma_wait3A_26 = tpu.memref_slice %arg2[%add3A_4] : memref<16384xi32, #tpu.memory_space<hbm>> -> memref<256xi32, #tpu.memory_space<hbm>>
    %dma_wait3A_27 = tpu.memref_slice %arg7[%dma_wait3A] : memref<2x!tpu.dma_semaphore, #tpu.memory_space<semaphore_mem>> -> memref<1x!tpu.dma_semaphore, #tpu.memory_space<semaphore_mem>>
    %dma_wait3A_28 = tpu.memref_squeeze %dma_wait3A_27 : memref<1x!tpu.dma_semaphore, #tpu.memory_space<semaphore_mem>> -> memref<!tpu.dma_semaphore, #tpu.memory_space<semaphore_mem>>
    %dma_wait3A_29 = arith.constant 0 : i32
    %dma_wait3A_30 = tpu.memref_slice %arg5[%dma_wait3A_29] : memref<512xi32, #tpu.memory_space<vmem>> -> memref<256xi32, #tpu.memory_space<vmem>>
    %dma_wait3A_31 = tpu.memref_slice %arg2[%add3A_4] : memref<16384xi32, #tpu.memory_space<hbm>> -> memref<256xi32, #tpu.memory_space<hbm>>
    tpu.wait_dma2 semaphore(%dma_wait3A_28 : memref<!tpu.dma_semaphore, #tpu.memory_space<semaphore_mem>>) src(%dma_wait3A_31 : memref<256xi32, #tpu.memory_space<hbm>>) dst(%dma_wait3A_30 : memref<256xi32, #tpu.memory_space<vmem>>)
    %dma_start3A_32 = arith.constant 0 : i32
    %dma_start3A_33 = arith.constant 0 : i32
    %dma_start3A_34 = tpu.memref_slice %arg6[%dma_start3A_33] : memref<512xf32, #tpu.memory_space<vmem>> -> memref<256xf32, #tpu.memory_space<vmem>>
    %dma_start3A_35 = arith.constant 0 : i32
    %dma_start3A_36 = tpu.memref_slice %arg5[%dma_start3A_35] : memref<512xi32, #tpu.memory_space<vmem>> -> memref<256xi32, #tpu.memory_space<vmem>>
    %dma_start3A_37 = arith.constant 0 : i32
    %dma_start3A_38 = tpu.memref_slice %arg3[%dma_start3A_37] : memref<1048576xf32, #tpu.memory_space<hbm>> -> memref<1048576xf32, #tpu.memory_space<hbm>>
    %dma_start3A_39 = tpu.memref_slice %arg8[%dma_start3A_32] : memref<2x!tpu.dma_semaphore, #tpu.memory_space<semaphore_mem>> -> memref<1x!tpu.dma_semaphore, #tpu.memory_space<semaphore_mem>>
    %dma_start3A_40 = tpu.memref_squeeze %dma_start3A_39 : memref<1x!tpu.dma_semaphore, #tpu.memory_space<semaphore_mem>> -> memref<!tpu.dma_semaphore, #tpu.memory_space<semaphore_mem>>
    tpu.enqueue_indirect_dma source(%dma_start3A_38 : memref<1048576xf32, #tpu.memory_space<hbm>>) target(%dma_start3A_34 : memref<256xf32, #tpu.memory_space<vmem>>) offsets(%dma_start3A_36 : memref<256xi32, #tpu.memory_space<vmem>>) semaphore(%dma_start3A_40 : memref<!tpu.dma_semaphore, #tpu.memory_space<semaphore_mem>>)
    %dma_wait3A_41 = arith.constant 1 : i32
    %dma_wait3A_42 = arith.constant 256 : i32
    %dma_wait3A_43 = tpu.memref_slice %arg5[%dma_wait3A_42] : memref<512xi32, #tpu.memory_space<vmem>> -> memref<256xi32, #tpu.memory_space<vmem>>
    %dma_wait3A_44 = tpu.memref_slice %arg2[%add3A_14] : memref<16384xi32, #tpu.memory_space<hbm>> -> memref<256xi32, #tpu.memory_space<hbm>>
    %dma_wait3A_45 = tpu.memref_slice %arg7[%dma_wait3A_41] : memref<2x!tpu.dma_semaphore, #tpu.memory_space<semaphore_mem>> -> memref<1x!tpu.dma_semaphore, #tpu.memory_space<semaphore_mem>>
    %dma_wait3A_46 = tpu.memref_squeeze %dma_wait3A_45 : memref<1x!tpu.dma_semaphore, #tpu.memory_space<semaphore_mem>> -> memref<!tpu.dma_semaphore, #tpu.memory_space<semaphore_mem>>
    %dma_wait3A_47 = arith.constant 256 : i32
    %dma_wait3A_48 = tpu.memref_slice %arg5[%dma_wait3A_47] : memref<512xi32, #tpu.memory_space<vmem>> -> memref<256xi32, #tpu.memory_space<vmem>>
    %dma_wait3A_49 = tpu.memref_slice %arg2[%add3A_14] : memref<16384xi32, #tpu.memory_space<hbm>> -> memref<256xi32, #tpu.memory_space<hbm>>
    tpu.wait_dma2 semaphore(%dma_wait3A_46 : memref<!tpu.dma_semaphore, #tpu.memory_space<semaphore_mem>>) src(%dma_wait3A_49 : memref<256xi32, #tpu.memory_space<hbm>>) dst(%dma_wait3A_48 : memref<256xi32, #tpu.memory_space<vmem>>)
    %dma_start3A_50 = arith.constant 1 : i32
    %dma_start3A_51 = arith.constant 256 : i32
    %dma_start3A_52 = tpu.memref_slice %arg6[%dma_start3A_51] : memref<512xf32, #tpu.memory_space<vmem>> -> memref<256xf32, #tpu.memory_space<vmem>>
    %dma_start3A_53 = arith.constant 256 : i32
    %dma_start3A_54 = tpu.memref_slice %arg5[%dma_start3A_53] : memref<512xi32, #tpu.memory_space<vmem>> -> memref<256xi32, #tpu.memory_space<vmem>>
    %dma_start3A_55 = arith.constant 0 : i32
    %dma_start3A_56 = tpu.memref_slice %arg3[%dma_start3A_55] : memref<1048576xf32, #tpu.memory_space<hbm>> -> memref<1048576xf32, #tpu.memory_space<hbm>>
    %dma_start3A_57 = tpu.memref_slice %arg8[%dma_start3A_50] : memref<2x!tpu.dma_semaphore, #tpu.memory_space<semaphore_mem>> -> memref<1x!tpu.dma_semaphore, #tpu.memory_space<semaphore_mem>>
    %dma_start3A_58 = tpu.memref_squeeze %dma_start3A_57 : memref<1x!tpu.dma_semaphore, #tpu.memory_space<semaphore_mem>> -> memref<!tpu.dma_semaphore, #tpu.memory_space<semaphore_mem>>
    tpu.enqueue_indirect_dma source(%dma_start3A_56 : memref<1048576xf32, #tpu.memory_space<hbm>>) target(%dma_start3A_52 : memref<256xf32, #tpu.memory_space<vmem>>) offsets(%dma_start3A_54 : memref<256xi32, #tpu.memory_space<vmem>>) semaphore(%dma_start3A_58 : memref<!tpu.dma_semaphore, #tpu.memory_space<semaphore_mem>>)
    %dma_wait3A_59 = arith.constant 0 : i32
    %dma_wait3A_60 = arith.constant 0 : i32
    %dma_wait3A_61 = tpu.memref_slice %arg6[%dma_wait3A_60] : memref<512xf32, #tpu.memory_space<vmem>> -> memref<256xf32, #tpu.memory_space<vmem>>
    %dma_wait3A_62 = arith.constant 0 : i32
    %dma_wait3A_63 = tpu.memref_slice %arg5[%dma_wait3A_62] : memref<512xi32, #tpu.memory_space<vmem>> -> memref<256xi32, #tpu.memory_space<vmem>>
    %dma_wait3A_64 = arith.constant 0 : i32
    %dma_wait3A_65 = tpu.memref_slice %arg3[%dma_wait3A_64] : memref<1048576xf32, #tpu.memory_space<hbm>> -> memref<1048576xf32, #tpu.memory_space<hbm>>
    %dma_wait3A_66 = tpu.memref_slice %arg8[%dma_wait3A_59] : memref<2x!tpu.dma_semaphore, #tpu.memory_space<semaphore_mem>> -> memref<1x!tpu.dma_semaphore, #tpu.memory_space<semaphore_mem>>
    %dma_wait3A_67 = tpu.memref_squeeze %dma_wait3A_66 : memref<1x!tpu.dma_semaphore, #tpu.memory_space<semaphore_mem>> -> memref<!tpu.dma_semaphore, #tpu.memory_space<semaphore_mem>>
    tpu.wait_indirect_dma semaphore(%dma_wait3A_67 : memref<!tpu.dma_semaphore, #tpu.memory_space<semaphore_mem>>) src(%dma_wait3A_65 : memref<1048576xf32, #tpu.memory_space<hbm>>) dst(%dma_wait3A_61 : memref<256xf32, #tpu.memory_space<vmem>>)
    %scan3A = arith.constant 0 : i32
    %scan3A_68 = arith.constant 0 : i32
    %scan3A_69 = arith.constant 16 : i32
    %scan3A_70 = arith.addi %scan3A_68, %scan3A_69 : i32
    %scan3A_71 = arith.constant 1 : i32
    scf.for %scan3A_128 = %scan3A_68 to %scan3A_70 step %scan3A_71  : i32 {
      %mul3A_129 = arith.constant 16 : i32
      %mul3A_130 = arith.muli %scan3A_128, %mul3A_129 : i32
      %add3A_131 = arith.constant 0 : i32
      %add3A_132 = arith.addi %add3A_131, %mul3A_130 : i32
      %get3A = arith.index_cast %add3A_132 : i32 to index
      %get3A_133 = tpu.vector_load %arg6[%get3A] {strides = array<i32>} : memref<512xf32, #tpu.memory_space<vmem>>, vector<16xf32>,
      %get3A_134 = vector.shape_cast %get3A_133 : vector<16xf32> to vector<16xf32>
      %bitcast_convert_type3A = tpu.bitcast %get3A_134 : vector<16xf32> -> vector<16xi32>
      %shift_right_logical3A = arith.constant 23 : i32
      %shift_right_logical3A_135 = vector.broadcast %shift_right_logical3A : i32 to vector<16xi32>
      %shift_right_logical3A_136 = arith.shrui %bitcast_convert_type3A, %shift_right_logical3A_135 : vector<16xi32>
      %sub3A = arith.constant 127 : i32
      %sub3A_137 = vector.broadcast %sub3A : i32 to vector<16xi32>
      %sub3A_138 = arith.subi %shift_right_logical3A_136, %sub3A_137 : vector<16xi32>
      %and3A = arith.constant 8388607 : i32
      %and3A_139 = vector.broadcast %and3A : i32 to vector<16xi32>
      %and3A_140 = arith.andi %bitcast_convert_type3A, %and3A_139 : vector<16xi32>
      %or3A = arith.constant 1065353216 : i32
      %or3A_141 = vector.broadcast %or3A : i32 to vector<16xi32>
      %or3A_142 = arith.ori %and3A_140, %or3A_141 : vector<16xi32>
      %bitcast_convert_type3A_143 = tpu.bitcast %or3A_142 : vector<16xi32> -> vector<16xf32>
      %gt3A = arith.constant 1.41421354 : f32
      %gt3A_144 = vector.broadcast %gt3A : f32 to vector<16xf32>
      %gt3A_145 = arith.cmpf ogt, %bitcast_convert_type3A_143, %gt3A_144 : vector<16xf32>
      %mul3A_146 = arith.constant 5.000000e-01 : f32
      %mul3A_147 = vector.broadcast %mul3A_146 : f32 to vector<16xf32>
      %mul3A_148 = arith.mulf %bitcast_convert_type3A_143, %mul3A_147 : vector<16xf32>
      %select_n3A = arith.select %gt3A_145, %mul3A_148, %bitcast_convert_type3A_143 : vector<16xi1>, vector<16xf32>
      %add3A_149 = arith.constant 1 : i32
      %add3A_150 = vector.broadcast %add3A_149 : i32 to vector<16xi32>
      %add3A_151 = arith.addi %sub3A_138, %add3A_150 : vector<16xi32>
      %select_n3A_152 = arith.select %gt3A_145, %add3A_151, %sub3A_138 : vector<16xi1>, vector<16xi32>
      %sub3A_153 = arith.constant 1.000000e+00 : f32
      %sub3A_154 = vector.broadcast %sub3A_153 : f32 to vector<16xf32>
      %sub3A_155 = arith.subf %select_n3A, %sub3A_154 : vector<16xf32>
      %mul3A_156 = arith.mulf %sub3A_155, %sub3A_155 : vector<16xf32>
      %broadcast_in_dim3A = arith.constant 0.0703768358 : f32
      %broadcast_in_dim3A_157 = vector.broadcast %broadcast_in_dim3A : f32 to vector<16xf32>
      %mul3A_158 = arith.mulf %broadcast_in_dim3A_157, %sub3A_155 : vector<16xf32>
      %add3A_159 = arith.constant -0.115146101 : f32
      %add3A_160 = vector.broadcast %add3A_159 : f32 to vector<16xf32>
      %add3A_161 = arith.addf %mul3A_158, %add3A_160 : vector<16xf32>
      %mul3A_162 = arith.mulf %add3A_161, %sub3A_155 : vector<16xf32>
      %add3A_163 = arith.constant 0.116769984 : f32
      %add3A_164 = vector.broadcast %add3A_163 : f32 to vector<16xf32>
      %add3A_165 = arith.addf %mul3A_162, %add3A_164 : vector<16xf32>
      %mul3A_166 = arith.mulf %add3A_165, %sub3A_155 : vector<16xf32>
      %add3A_167 = arith.constant -0.12420141 : f32
      %add3A_168 = vector.broadcast %add3A_167 : f32 to vector<16xf32>
      %add3A_169 = arith.addf %mul3A_166, %add3A_168 : vector<16xf32>
      %mul3A_170 = arith.mulf %add3A_169, %sub3A_155 : vector<16xf32>
      %add3A_171 = arith.constant 0.142493233 : f32
      %add3A_172 = vector.broadcast %add3A_171 : f32 to vector<16xf32>
      %add3A_173 = arith.addf %mul3A_170, %add3A_172 : vector<16xf32>
      %mul3A_174 = arith.mulf %add3A_173, %sub3A_155 : vector<16xf32>
      %add3A_175 = arith.constant -0.166680574 : f32
      %add3A_176 = vector.broadcast %add3A_175 : f32 to vector<16xf32>
      %add3A_177 = arith.addf %mul3A_174, %add3A_176 : vector<16xf32>
      %mul3A_178 = arith.mulf %add3A_177, %sub3A_155 : vector<16xf32>
      %add3A_179 = arith.constant 0.200007141 : f32
      %add3A_180 = vector.broadcast %add3A_179 : f32 to vector<16xf32>
      %add3A_181 = arith.addf %mul3A_178, %add3A_180 : vector<16xf32>
      %mul3A_182 = arith.mulf %add3A_181, %sub3A_155 : vector<16xf32>
      %add3A_183 = arith.constant -0.24999994 : f32
      %add3A_184 = vector.broadcast %add3A_183 : f32 to vector<16xf32>
      %add3A_185 = arith.addf %mul3A_182, %add3A_184 : vector<16xf32>
      %mul3A_186 = arith.mulf %add3A_185, %sub3A_155 : vector<16xf32>
      %add3A_187 = arith.constant 0.333333313 : f32
      %add3A_188 = vector.broadcast %add3A_187 : f32 to vector<16xf32>
      %add3A_189 = arith.addf %mul3A_186, %add3A_188 : vector<16xf32>
      %mul3A_190 = arith.mulf %sub3A_155, %mul3A_156 : vector<16xf32>
      %mul3A_191 = arith.mulf %mul3A_190, %add3A_189 : vector<16xf32>
      %mul3A_192 = arith.constant 5.000000e-01 : f32
      %mul3A_193 = vector.broadcast %mul3A_192 : f32 to vector<16xf32>
      %mul3A_194 = arith.mulf %mul3A_193, %mul3A_156 : vector<16xf32>
      %sub3A_195 = arith.subf %mul3A_191, %mul3A_194 : vector<16xf32>
      %add3A_196 = arith.addf %sub3A_155, %sub3A_195 : vector<16xf32>
      %convert_element_type3A = arith.sitofp %select_n3A_152 : vector<16xi32> to vector<16xf32>
      %mul3A_197 = arith.constant 0.693147182 : f32
      %mul3A_198 = vector.broadcast %mul3A_197 : f32 to vector<16xf32>
      %mul3A_199 = arith.mulf %convert_element_type3A, %mul3A_198 : vector<16xf32>
      %add3A_200 = arith.addf %add3A_196, %mul3A_199 : vector<16xf32>
      %swap3A = arith.index_cast %add3A_132 : i32 to index
      %swap3A_201 = tpu.vector_load %arg6[%swap3A] {strides = array<i32>} : memref<512xf32, #tpu.memory_space<vmem>>, vector<16xf32>,
      %swap3A_202 = vector.shape_cast %swap3A_201 : vector<16xf32> to vector<16xf32>
      %swap3A_203 = vector.shape_cast %add3A_200 : vector<16xf32> to vector<16xf32>
      tpu.vector_store %arg6[%swap3A], %swap3A_203 {strides = array<i32>} : memref<512xf32, #tpu.memory_space<vmem>>, vector<16xf32>,
    }
    %scan3A_72 = arith.constant 16 : i32
    %add3A_73 = arith.constant 0 : i32
    %add3A_74 = arith.addi %mul3A_2, %add3A_73 : i32
    %dma_start3A_75 = arith.constant 0 : i32
    %dma_start3A_76 = arith.constant 0 : i32
    %dma_start3A_77 = tpu.memref_slice %arg6[%dma_start3A_76] : memref<512xf32, #tpu.memory_space<vmem>> -> memref<256xf32, #tpu.memory_space<vmem>>
    %dma_start3A_78 = tpu.memref_slice %arg4[%add3A_74] : memref<16384xf32, #tpu.memory_space<hbm>> -> memref<256xf32, #tpu.memory_space<hbm>>
    %dma_start3A_79 = tpu.memref_slice %arg9[%dma_start3A_75] : memref<2x!tpu.dma_semaphore, #tpu.memory_space<semaphore_mem>> -> memref<1x!tpu.dma_semaphore, #tpu.memory_space<semaphore_mem>>
    %dma_start3A_80 = tpu.memref_squeeze %dma_start3A_79 : memref<1x!tpu.dma_semaphore, #tpu.memory_space<semaphore_mem>> -> memref<!tpu.dma_semaphore, #tpu.memory_space<semaphore_mem>>
    %dma_start3A_81 = tpu.memref_slice %arg4[%add3A_74] : memref<16384xf32, #tpu.memory_space<hbm>> -> memref<256xf32, #tpu.memory_space<hbm>>
    %dma_start3A_82 = arith.constant 0 : i32
    %dma_start3A_83 = tpu.memref_slice %arg6[%dma_start3A_82] : memref<512xf32, #tpu.memory_space<vmem>> -> memref<256xf32, #tpu.memory_space<vmem>>
    tpu.enqueue_dma source(%dma_start3A_83 : memref<256xf32, #tpu.memory_space<vmem>>) target(%dma_start3A_81 : memref<256xf32, #tpu.memory_space<hbm>>) target_semaphore(%dma_start3A_80 : memref<!tpu.dma_semaphore, #tpu.memory_space<semaphore_mem>>)
    %dma_wait3A_84 = arith.constant 1 : i32
    %dma_wait3A_85 = arith.constant 256 : i32
    %dma_wait3A_86 = tpu.memref_slice %arg6[%dma_wait3A_85] : memref<512xf32, #tpu.memory_space<vmem>> -> memref<256xf32, #tpu.memory_space<vmem>>
    %dma_wait3A_87 = arith.constant 256 : i32
    %dma_wait3A_88 = tpu.memref_slice %arg5[%dma_wait3A_87] : memref<512xi32, #tpu.memory_space<vmem>> -> memref<256xi32, #tpu.memory_space<vmem>>
    %dma_wait3A_89 = arith.constant 0 : i32
    %dma_wait3A_90 = tpu.memref_slice %arg3[%dma_wait3A_89] : memref<1048576xf32, #tpu.memory_space<hbm>> -> memref<1048576xf32, #tpu.memory_space<hbm>>
    %dma_wait3A_91 = tpu.memref_slice %arg8[%dma_wait3A_84] : memref<2x!tpu.dma_semaphore, #tpu.memory_space<semaphore_mem>> -> memref<1x!tpu.dma_semaphore, #tpu.memory_space<semaphore_mem>>
    %dma_wait3A_92 = tpu.memref_squeeze %dma_wait3A_91 : memref<1x!tpu.dma_semaphore, #tpu.memory_space<semaphore_mem>> -> memref<!tpu.dma_semaphore, #tpu.memory_space<semaphore_mem>>
    tpu.wait_indirect_dma semaphore(%dma_wait3A_92 : memref<!tpu.dma_semaphore, #tpu.memory_space<semaphore_mem>>) src(%dma_wait3A_90 : memref<1048576xf32, #tpu.memory_space<hbm>>) dst(%dma_wait3A_86 : memref<256xf32, #tpu.memory_space<vmem>>)
    %scan3A_93 = arith.constant 0 : i32
    %scan3A_94 = arith.constant 0 : i32
    %scan3A_95 = arith.constant 16 : i32
    %scan3A_96 = arith.addi %scan3A_94, %scan3A_95 : i32
    %scan3A_97 = arith.constant 1 : i32
    scf.for %scan3A_128 = %scan3A_94 to %scan3A_96 step %scan3A_97  : i32 {
      %mul3A_129 = arith.constant 16 : i32
      %mul3A_130 = arith.muli %scan3A_128, %mul3A_129 : i32
      %add3A_131 = arith.constant 256 : i32
      %add3A_132 = arith.addi %add3A_131, %mul3A_130 : i32
      %get3A = arith.index_cast %add3A_132 : i32 to index
      %get3A_133 = tpu.vector_load %arg6[%get3A] {strides = array<i32>} : memref<512xf32, #tpu.memory_space<vmem>>, vector<16xf32>,
      %get3A_134 = vector.shape_cast %get3A_133 : vector<16xf32> to vector<16xf32>
      %bitcast_convert_type3A = tpu.bitcast %get3A_134 : vector<16xf32> -> vector<16xi32>
      %shift_right_logical3A = arith.constant 23 : i32
      %shift_right_logical3A_135 = vector.broadcast %shift_right_logical3A : i32 to vector<16xi32>
      %shift_right_logical3A_136 = arith.shrui %bitcast_convert_type3A, %shift_right_logical3A_135 : vector<16xi32>
      %sub3A = arith.constant 127 : i32
      %sub3A_137 = vector.broadcast %sub3A : i32 to vector<16xi32>
      %sub3A_138 = arith.subi %shift_right_logical3A_136, %sub3A_137 : vector<16xi32>
      %and3A = arith.constant 8388607 : i32
      %and3A_139 = vector.broadcast %and3A : i32 to vector<16xi32>
      %and3A_140 = arith.andi %bitcast_convert_type3A, %and3A_139 : vector<16xi32>
      %or3A = arith.constant 1065353216 : i32
      %or3A_141 = vector.broadcast %or3A : i32 to vector<16xi32>
      %or3A_142 = arith.ori %and3A_140, %or3A_141 : vector<16xi32>
      %bitcast_convert_type3A_143 = tpu.bitcast %or3A_142 : vector<16xi32> -> vector<16xf32>
      %gt3A = arith.constant 1.41421354 : f32
      %gt3A_144 = vector.broadcast %gt3A : f32 to vector<16xf32>
      %gt3A_145 = arith.cmpf ogt, %bitcast_convert_type3A_143, %gt3A_144 : vector<16xf32>
      %mul3A_146 = arith.constant 5.000000e-01 : f32
      %mul3A_147 = vector.broadcast %mul3A_146 : f32 to vector<16xf32>
      %mul3A_148 = arith.mulf %bitcast_convert_type3A_143, %mul3A_147 : vector<16xf32>
      %select_n3A = arith.select %gt3A_145, %mul3A_148, %bitcast_convert_type3A_143 : vector<16xi1>, vector<16xf32>
      %add3A_149 = arith.constant 1 : i32
      %add3A_150 = vector.broadcast %add3A_149 : i32 to vector<16xi32>
      %add3A_151 = arith.addi %sub3A_138, %add3A_150 : vector<16xi32>
      %select_n3A_152 = arith.select %gt3A_145, %add3A_151, %sub3A_138 : vector<16xi1>, vector<16xi32>
      %sub3A_153 = arith.constant 1.000000e+00 : f32
      %sub3A_154 = vector.broadcast %sub3A_153 : f32 to vector<16xf32>
      %sub3A_155 = arith.subf %select_n3A, %sub3A_154 : vector<16xf32>
      %mul3A_156 = arith.mulf %sub3A_155, %sub3A_155 : vector<16xf32>
      %broadcast_in_dim3A = arith.constant 0.0703768358 : f32
      %broadcast_in_dim3A_157 = vector.broadcast %broadcast_in_dim3A : f32 to vector<16xf32>
      %mul3A_158 = arith.mulf %broadcast_in_dim3A_157, %sub3A_155 : vector<16xf32>
      %add3A_159 = arith.constant -0.115146101 : f32
      %add3A_160 = vector.broadcast %add3A_159 : f32 to vector<16xf32>
      %add3A_161 = arith.addf %mul3A_158, %add3A_160 : vector<16xf32>
      %mul3A_162 = arith.mulf %add3A_161, %sub3A_155 : vector<16xf32>
      %add3A_163 = arith.constant 0.116769984 : f32
      %add3A_164 = vector.broadcast %add3A_163 : f32 to vector<16xf32>
      %add3A_165 = arith.addf %mul3A_162, %add3A_164 : vector<16xf32>
      %mul3A_166 = arith.mulf %add3A_165, %sub3A_155 : vector<16xf32>
      %add3A_167 = arith.constant -0.12420141 : f32
      %add3A_168 = vector.broadcast %add3A_167 : f32 to vector<16xf32>
      %add3A_169 = arith.addf %mul3A_166, %add3A_168 : vector<16xf32>
      %mul3A_170 = arith.mulf %add3A_169, %sub3A_155 : vector<16xf32>
      %add3A_171 = arith.constant 0.142493233 : f32
      %add3A_172 = vector.broadcast %add3A_171 : f32 to vector<16xf32>
      %add3A_173 = arith.addf %mul3A_170, %add3A_172 : vector<16xf32>
      %mul3A_174 = arith.mulf %add3A_173, %sub3A_155 : vector<16xf32>
      %add3A_175 = arith.constant -0.166680574 : f32
      %add3A_176 = vector.broadcast %add3A_175 : f32 to vector<16xf32>
      %add3A_177 = arith.addf %mul3A_174, %add3A_176 : vector<16xf32>
      %mul3A_178 = arith.mulf %add3A_177, %sub3A_155 : vector<16xf32>
      %add3A_179 = arith.constant 0.200007141 : f32
      %add3A_180 = vector.broadcast %add3A_179 : f32 to vector<16xf32>
      %add3A_181 = arith.addf %mul3A_178, %add3A_180 : vector<16xf32>
      %mul3A_182 = arith.mulf %add3A_181, %sub3A_155 : vector<16xf32>
      %add3A_183 = arith.constant -0.24999994 : f32
      %add3A_184 = vector.broadcast %add3A_183 : f32 to vector<16xf32>
      %add3A_185 = arith.addf %mul3A_182, %add3A_184 : vector<16xf32>
      %mul3A_186 = arith.mulf %add3A_185, %sub3A_155 : vector<16xf32>
      %add3A_187 = arith.constant 0.333333313 : f32
      %add3A_188 = vector.broadcast %add3A_187 : f32 to vector<16xf32>
      %add3A_189 = arith.addf %mul3A_186, %add3A_188 : vector<16xf32>
      %mul3A_190 = arith.mulf %sub3A_155, %mul3A_156 : vector<16xf32>
      %mul3A_191 = arith.mulf %mul3A_190, %add3A_189 : vector<16xf32>
      %mul3A_192 = arith.constant 5.000000e-01 : f32
      %mul3A_193 = vector.broadcast %mul3A_192 : f32 to vector<16xf32>
      %mul3A_194 = arith.mulf %mul3A_193, %mul3A_156 : vector<16xf32>
      %sub3A_195 = arith.subf %mul3A_191, %mul3A_194 : vector<16xf32>
      %add3A_196 = arith.addf %sub3A_155, %sub3A_195 : vector<16xf32>
      %convert_element_type3A = arith.sitofp %select_n3A_152 : vector<16xi32> to vector<16xf32>
      %mul3A_197 = arith.constant 0.693147182 : f32
      %mul3A_198 = vector.broadcast %mul3A_197 : f32 to vector<16xf32>
      %mul3A_199 = arith.mulf %convert_element_type3A, %mul3A_198 : vector<16xf32>
      %add3A_200 = arith.addf %add3A_196, %mul3A_199 : vector<16xf32>
      %swap3A = arith.index_cast %add3A_132 : i32 to index
      %swap3A_201 = tpu.vector_load %arg6[%swap3A] {strides = array<i32>} : memref<512xf32, #tpu.memory_space<vmem>>, vector<16xf32>,
      %swap3A_202 = vector.shape_cast %swap3A_201 : vector<16xf32> to vector<16xf32>
      %swap3A_203 = vector.shape_cast %add3A_200 : vector<16xf32> to vector<16xf32>
      tpu.vector_store %arg6[%swap3A], %swap3A_203 {strides = array<i32>} : memref<512xf32, #tpu.memory_space<vmem>>, vector<16xf32>,
    }
    %scan3A_98 = arith.constant 16 : i32
    %add3A_99 = arith.constant 256 : i32
    %add3A_100 = arith.addi %mul3A_2, %add3A_99 : i32
    %dma_start3A_101 = arith.constant 1 : i32
    %dma_start3A_102 = arith.constant 256 : i32
    %dma_start3A_103 = tpu.memref_slice %arg6[%dma_start3A_102] : memref<512xf32, #tpu.memory_space<vmem>> -> memref<256xf32, #tpu.memory_space<vmem>>
    %dma_start3A_104 = tpu.memref_slice %arg4[%add3A_100] : memref<16384xf32, #tpu.memory_space<hbm>> -> memref<256xf32, #tpu.memory_space<hbm>>
    %dma_start3A_105 = tpu.memref_slice %arg9[%dma_start3A_101] : memref<2x!tpu.dma_semaphore, #tpu.memory_space<semaphore_mem>> -> memref<1x!tpu.dma_semaphore, #tpu.memory_space<semaphore_mem>>
    %dma_start3A_106 = tpu.memref_squeeze %dma_start3A_105 : memref<1x!tpu.dma_semaphore, #tpu.memory_space<semaphore_mem>> -> memref<!tpu.dma_semaphore, #tpu.memory_space<semaphore_mem>>
    %dma_start3A_107 = tpu.memref_slice %arg4[%add3A_100] : memref<16384xf32, #tpu.memory_space<hbm>> -> memref<256xf32, #tpu.memory_space<hbm>>
    %dma_start3A_108 = arith.constant 256 : i32
    %dma_start3A_109 = tpu.memref_slice %arg6[%dma_start3A_108] : memref<512xf32, #tpu.memory_space<vmem>> -> memref<256xf32, #tpu.memory_space<vmem>>
    tpu.enqueue_dma source(%dma_start3A_109 : memref<256xf32, #tpu.memory_space<vmem>>) target(%dma_start3A_107 : memref<256xf32, #tpu.memory_space<hbm>>) target_semaphore(%dma_start3A_106 : memref<!tpu.dma_semaphore, #tpu.memory_space<semaphore_mem>>)
    %dma_wait3A_110 = arith.constant 0 : i32
    %dma_wait3A_111 = arith.constant 0 : i32
    %dma_wait3A_112 = tpu.memref_slice %arg6[%dma_wait3A_111] : memref<512xf32, #tpu.memory_space<vmem>> -> memref<256xf32, #tpu.memory_space<vmem>>
    %dma_wait3A_113 = tpu.memref_slice %arg4[%add3A_74] : memref<16384xf32, #tpu.memory_space<hbm>> -> memref<256xf32, #tpu.memory_space<hbm>>
    %dma_wait3A_114 = tpu.memref_slice %arg9[%dma_wait3A_110] : memref<2x!tpu.dma_semaphore, #tpu.memory_space<semaphore_mem>> -> memref<1x!tpu.dma_semaphore, #tpu.memory_space<semaphore_mem>>
    %dma_wait3A_115 = tpu.memref_squeeze %dma_wait3A_114 : memref<1x!tpu.dma_semaphore, #tpu.memory_space<semaphore_mem>> -> memref<!tpu.dma_semaphore, #tpu.memory_space<semaphore_mem>>
    %dma_wait3A_116 = tpu.memref_slice %arg4[%add3A_74] : memref<16384xf32, #tpu.memory_space<hbm>> -> memref<256xf32, #tpu.memory_space<hbm>>
    %dma_wait3A_117 = arith.constant 0 : i32
    %dma_wait3A_118 = tpu.memref_slice %arg6[%dma_wait3A_117] : memref<512xf32, #tpu.memory_space<vmem>> -> memref<256xf32, #tpu.memory_space<vmem>>
    tpu.wait_dma2 semaphore(%dma_wait3A_115 : memref<!tpu.dma_semaphore, #tpu.memory_space<semaphore_mem>>) src(%dma_wait3A_118 : memref<256xf32, #tpu.memory_space<vmem>>) dst(%dma_wait3A_116 : memref<256xf32, #tpu.memory_space<hbm>>)
    %dma_wait3A_119 = arith.constant 1 : i32
    %dma_wait3A_120 = arith.constant 256 : i32
    %dma_wait3A_121 = tpu.memref_slice %arg6[%dma_wait3A_120] : memref<512xf32, #tpu.memory_space<vmem>> -> memref<256xf32, #tpu.memory_space<vmem>>
    %dma_wait3A_122 = tpu.memref_slice %arg4[%add3A_100] : memref<16384xf32, #tpu.memory_space<hbm>> -> memref<256xf32, #tpu.memory_space<hbm>>
    %dma_wait3A_123 = tpu.memref_slice %arg9[%dma_wait3A_119] : memref<2x!tpu.dma_semaphore, #tpu.memory_space<semaphore_mem>> -> memref<1x!tpu.dma_semaphore, #tpu.memory_space<semaphore_mem>>
    %dma_wait3A_124 = tpu.memref_squeeze %dma_wait3A_123 : memref<1x!tpu.dma_semaphore, #tpu.memory_space<semaphore_mem>> -> memref<!tpu.dma_semaphore, #tpu.memory_space<semaphore_mem>>
    %dma_wait3A_125 = tpu.memref_slice %arg4[%add3A_100] : memref<16384xf32, #tpu.memory_space<hbm>> -> memref<256xf32, #tpu.memory_space<hbm>>
    %dma_wait3A_126 = arith.constant 256 : i32
    %dma_wait3A_127 = tpu.memref_slice %arg6[%dma_wait3A_126] : memref<512xf32, #tpu.memory_space<vmem>> -> memref<256xf32, #tpu.memory_space<vmem>>
    tpu.wait_dma2 semaphore(%dma_wait3A_124 : memref<!tpu.dma_semaphore, #tpu.memory_space<semaphore_mem>>) src(%dma_wait3A_127 : memref<256xf32, #tpu.memory_space<vmem>>) dst(%dma_wait3A_125 : memref<256xf32, #tpu.memory_space<hbm>>)
    return
  }
}

module attributes {stable_mosaic.version = 14 : i64} {
  func.func @_idx_body(%arg0: memref<20x16384xi32, #tpu.memory_space<any>>, %arg1: memref<16384xi32, #tpu.memory_space<any>>, %arg2: memref<4x20x4096xi32, #tpu.memory_space<vmem>>, %arg3: memref<16384xi32, #tpu.memory_space<vmem>>, %arg4: memref<4x!tpu.dma_semaphore, #tpu.memory_space<semaphore_mem>>, %arg5: memref<4x!tpu.dma_semaphore, #tpu.memory_space<semaphore_mem>>) attributes {dimension_semantics = [], scalar_prefetch = 0 : i64, scratch_operands = 4 : i64, tpu.core_type = #tpu.core_type<tc>} {
    %dma_start3A = arith.constant 0 : i32
    %dma_start3A_0 = arith.constant 0 : i32
    %dma_start3A_1 = tpu.memref_slice %arg4[%dma_start3A_0] : memref<4x!tpu.dma_semaphore, #tpu.memory_space<semaphore_mem>> -> memref<1x!tpu.dma_semaphore, #tpu.memory_space<semaphore_mem>>
    %dma_start3A_2 = tpu.memref_squeeze %dma_start3A_1 : memref<1x!tpu.dma_semaphore, #tpu.memory_space<semaphore_mem>> -> memref<!tpu.dma_semaphore, #tpu.memory_space<semaphore_mem>>
    %dma_start3A_3 = arith.constant 0 : i32
    %dma_start3A_4 = arith.constant 0 : i32
    %dma_start3A_5 = tpu.memref_slice %arg2[%dma_start3A, %dma_start3A_3, %dma_start3A_4] : memref<4x20x4096xi32, #tpu.memory_space<vmem>> -> memref<1x20x4096xi32, #tpu.memory_space<vmem>>
    %dma_start3A_6 = tpu.memref_squeeze %dma_start3A_5 : memref<1x20x4096xi32, #tpu.memory_space<vmem>> -> memref<20x4096xi32, #tpu.memory_space<vmem>>
    %dma_start3A_7 = arith.constant 0 : i32
    %dma_start3A_8 = arith.constant 0 : i32
    %dma_start3A_9 = tpu.memref_slice %arg0[%dma_start3A_7, %dma_start3A_8] : memref<20x16384xi32, #tpu.memory_space<any>> -> memref<20x4096xi32, #tpu.memory_space<any>>
    tpu.enqueue_dma source(%dma_start3A_9 : memref<20x4096xi32, #tpu.memory_space<any>>) target(%dma_start3A_6 : memref<20x4096xi32, #tpu.memory_space<vmem>>) target_semaphore(%dma_start3A_2 : memref<!tpu.dma_semaphore, #tpu.memory_space<semaphore_mem>>)
    %dma_start3A_10 = arith.constant 1 : i32
    %dma_start3A_11 = arith.constant 1 : i32
    %dma_start3A_12 = tpu.memref_slice %arg4[%dma_start3A_11] : memref<4x!tpu.dma_semaphore, #tpu.memory_space<semaphore_mem>> -> memref<1x!tpu.dma_semaphore, #tpu.memory_space<semaphore_mem>>
    %dma_start3A_13 = tpu.memref_squeeze %dma_start3A_12 : memref<1x!tpu.dma_semaphore, #tpu.memory_space<semaphore_mem>> -> memref<!tpu.dma_semaphore, #tpu.memory_space<semaphore_mem>>
    %dma_start3A_14 = arith.constant 0 : i32
    %dma_start3A_15 = arith.constant 0 : i32
    %dma_start3A_16 = tpu.memref_slice %arg2[%dma_start3A_10, %dma_start3A_14, %dma_start3A_15] : memref<4x20x4096xi32, #tpu.memory_space<vmem>> -> memref<1x20x4096xi32, #tpu.memory_space<vmem>>
    %dma_start3A_17 = tpu.memref_squeeze %dma_start3A_16 : memref<1x20x4096xi32, #tpu.memory_space<vmem>> -> memref<20x4096xi32, #tpu.memory_space<vmem>>
    %dma_start3A_18 = arith.constant 0 : i32
    %dma_start3A_19 = arith.constant 4096 : i32
    %dma_start3A_20 = tpu.memref_slice %arg0[%dma_start3A_18, %dma_start3A_19] : memref<20x16384xi32, #tpu.memory_space<any>> -> memref<20x4096xi32, #tpu.memory_space<any>>
    tpu.enqueue_dma source(%dma_start3A_20 : memref<20x4096xi32, #tpu.memory_space<any>>) target(%dma_start3A_17 : memref<20x4096xi32, #tpu.memory_space<vmem>>) target_semaphore(%dma_start3A_13 : memref<!tpu.dma_semaphore, #tpu.memory_space<semaphore_mem>>)
    %dma_start3A_21 = arith.constant 2 : i32
    %dma_start3A_22 = arith.constant 2 : i32
    %dma_start3A_23 = tpu.memref_slice %arg4[%dma_start3A_22] : memref<4x!tpu.dma_semaphore, #tpu.memory_space<semaphore_mem>> -> memref<1x!tpu.dma_semaphore, #tpu.memory_space<semaphore_mem>>
    %dma_start3A_24 = tpu.memref_squeeze %dma_start3A_23 : memref<1x!tpu.dma_semaphore, #tpu.memory_space<semaphore_mem>> -> memref<!tpu.dma_semaphore, #tpu.memory_space<semaphore_mem>>
    %dma_start3A_25 = arith.constant 0 : i32
    %dma_start3A_26 = arith.constant 0 : i32
    %dma_start3A_27 = tpu.memref_slice %arg2[%dma_start3A_21, %dma_start3A_25, %dma_start3A_26] : memref<4x20x4096xi32, #tpu.memory_space<vmem>> -> memref<1x20x4096xi32, #tpu.memory_space<vmem>>
    %dma_start3A_28 = tpu.memref_squeeze %dma_start3A_27 : memref<1x20x4096xi32, #tpu.memory_space<vmem>> -> memref<20x4096xi32, #tpu.memory_space<vmem>>
    %dma_start3A_29 = arith.constant 0 : i32
    %dma_start3A_30 = arith.constant 8192 : i32
    %dma_start3A_31 = tpu.memref_slice %arg0[%dma_start3A_29, %dma_start3A_30] : memref<20x16384xi32, #tpu.memory_space<any>> -> memref<20x4096xi32, #tpu.memory_space<any>>
    tpu.enqueue_dma source(%dma_start3A_31 : memref<20x4096xi32, #tpu.memory_space<any>>) target(%dma_start3A_28 : memref<20x4096xi32, #tpu.memory_space<vmem>>) target_semaphore(%dma_start3A_24 : memref<!tpu.dma_semaphore, #tpu.memory_space<semaphore_mem>>)
    %dma_start3A_32 = arith.constant 3 : i32
    %dma_start3A_33 = arith.constant 3 : i32
    %dma_start3A_34 = tpu.memref_slice %arg4[%dma_start3A_33] : memref<4x!tpu.dma_semaphore, #tpu.memory_space<semaphore_mem>> -> memref<1x!tpu.dma_semaphore, #tpu.memory_space<semaphore_mem>>
    %dma_start3A_35 = tpu.memref_squeeze %dma_start3A_34 : memref<1x!tpu.dma_semaphore, #tpu.memory_space<semaphore_mem>> -> memref<!tpu.dma_semaphore, #tpu.memory_space<semaphore_mem>>
    %dma_start3A_36 = arith.constant 0 : i32
    %dma_start3A_37 = arith.constant 0 : i32
    %dma_start3A_38 = tpu.memref_slice %arg2[%dma_start3A_32, %dma_start3A_36, %dma_start3A_37] : memref<4x20x4096xi32, #tpu.memory_space<vmem>> -> memref<1x20x4096xi32, #tpu.memory_space<vmem>>
    %dma_start3A_39 = tpu.memref_squeeze %dma_start3A_38 : memref<1x20x4096xi32, #tpu.memory_space<vmem>> -> memref<20x4096xi32, #tpu.memory_space<vmem>>
    %dma_start3A_40 = arith.constant 0 : i32
    %dma_start3A_41 = arith.constant 12288 : i32
    %dma_start3A_42 = tpu.memref_slice %arg0[%dma_start3A_40, %dma_start3A_41] : memref<20x16384xi32, #tpu.memory_space<any>> -> memref<20x4096xi32, #tpu.memory_space<any>>
    tpu.enqueue_dma source(%dma_start3A_42 : memref<20x4096xi32, #tpu.memory_space<any>>) target(%dma_start3A_39 : memref<20x4096xi32, #tpu.memory_space<vmem>>) target_semaphore(%dma_start3A_35 : memref<!tpu.dma_semaphore, #tpu.memory_space<semaphore_mem>>)
    %dma_wait3A = arith.constant 0 : i32
    %dma_wait3A_43 = arith.constant 0 : i32
    %dma_wait3A_44 = tpu.memref_slice %arg4[%dma_wait3A_43] : memref<4x!tpu.dma_semaphore, #tpu.memory_space<semaphore_mem>> -> memref<1x!tpu.dma_semaphore, #tpu.memory_space<semaphore_mem>>
    %dma_wait3A_45 = tpu.memref_squeeze %dma_wait3A_44 : memref<1x!tpu.dma_semaphore, #tpu.memory_space<semaphore_mem>> -> memref<!tpu.dma_semaphore, #tpu.memory_space<semaphore_mem>>
    %dma_wait3A_46 = arith.constant 0 : i32
    %dma_wait3A_47 = arith.constant 0 : i32
    %dma_wait3A_48 = tpu.memref_slice %arg2[%dma_wait3A, %dma_wait3A_46, %dma_wait3A_47] : memref<4x20x4096xi32, #tpu.memory_space<vmem>> -> memref<1x20x4096xi32, #tpu.memory_space<vmem>>
    %dma_wait3A_49 = tpu.memref_squeeze %dma_wait3A_48 : memref<1x20x4096xi32, #tpu.memory_space<vmem>> -> memref<20x4096xi32, #tpu.memory_space<vmem>>
    %dma_wait3A_50 = arith.constant 0 : i32
    %dma_wait3A_51 = arith.constant 0 : i32
    %dma_wait3A_52 = tpu.memref_slice %arg0[%dma_wait3A_50, %dma_wait3A_51] : memref<20x16384xi32, #tpu.memory_space<any>> -> memref<20x4096xi32, #tpu.memory_space<any>>
    tpu.wait_dma2 semaphore(%dma_wait3A_45 : memref<!tpu.dma_semaphore, #tpu.memory_space<semaphore_mem>>) src(%dma_wait3A_52 : memref<20x4096xi32, #tpu.memory_space<any>>) dst(%dma_wait3A_49 : memref<20x4096xi32, #tpu.memory_space<vmem>>)
    %get3A = arith.constant 0 : index
    %get3A_53 = arith.constant 0 : index
    %get3A_54 = arith.constant 0 : index
    %get3A_55 = vector.load %arg2[%get3A, %get3A_53, %get3A_54] : memref<4x20x4096xi32, #tpu.memory_space<vmem>>, vector<1x1x4096xi32>
    %get3A_56 = vector.shape_cast %get3A_55 : vector<1x1x4096xi32> to vector<4096xi32>
    %get3A_57 = arith.constant 0 : index
    %get3A_58 = arith.constant 1 : index
    %get3A_59 = arith.constant 0 : index
    %get3A_60 = vector.load %arg2[%get3A_57, %get3A_58, %get3A_59] : memref<4x20x4096xi32, #tpu.memory_space<vmem>>, vector<1x1x4096xi32>
    %get3A_61 = vector.shape_cast %get3A_60 : vector<1x1x4096xi32> to vector<4096xi32>
    %get3A_62 = arith.constant 0 : index
    %get3A_63 = arith.constant 2 : index
    %get3A_64 = arith.constant 0 : index
    %get3A_65 = vector.load %arg2[%get3A_62, %get3A_63, %get3A_64] : memref<4x20x4096xi32, #tpu.memory_space<vmem>>, vector<1x1x4096xi32>
    %get3A_66 = vector.shape_cast %get3A_65 : vector<1x1x4096xi32> to vector<4096xi32>
    %get3A_67 = arith.constant 0 : index
    %get3A_68 = arith.constant 3 : index
    %get3A_69 = arith.constant 0 : index
    %get3A_70 = vector.load %arg2[%get3A_67, %get3A_68, %get3A_69] : memref<4x20x4096xi32, #tpu.memory_space<vmem>>, vector<1x1x4096xi32>
    %get3A_71 = vector.shape_cast %get3A_70 : vector<1x1x4096xi32> to vector<4096xi32>
    %get3A_72 = arith.constant 0 : index
    %get3A_73 = arith.constant 4 : index
    %get3A_74 = arith.constant 0 : index
    %get3A_75 = vector.load %arg2[%get3A_72, %get3A_73, %get3A_74] : memref<4x20x4096xi32, #tpu.memory_space<vmem>>, vector<1x1x4096xi32>
    %get3A_76 = vector.shape_cast %get3A_75 : vector<1x1x4096xi32> to vector<4096xi32>
    %get3A_77 = arith.constant 0 : index
    %get3A_78 = arith.constant 5 : index
    %get3A_79 = arith.constant 0 : index
    %get3A_80 = vector.load %arg2[%get3A_77, %get3A_78, %get3A_79] : memref<4x20x4096xi32, #tpu.memory_space<vmem>>, vector<1x1x4096xi32>
    %get3A_81 = vector.shape_cast %get3A_80 : vector<1x1x4096xi32> to vector<4096xi32>
    %get3A_82 = arith.constant 0 : index
    %get3A_83 = arith.constant 6 : index
    %get3A_84 = arith.constant 0 : index
    %get3A_85 = vector.load %arg2[%get3A_82, %get3A_83, %get3A_84] : memref<4x20x4096xi32, #tpu.memory_space<vmem>>, vector<1x1x4096xi32>
    %get3A_86 = vector.shape_cast %get3A_85 : vector<1x1x4096xi32> to vector<4096xi32>
    %get3A_87 = arith.constant 0 : index
    %get3A_88 = arith.constant 7 : index
    %get3A_89 = arith.constant 0 : index
    %get3A_90 = vector.load %arg2[%get3A_87, %get3A_88, %get3A_89] : memref<4x20x4096xi32, #tpu.memory_space<vmem>>, vector<1x1x4096xi32>
    %get3A_91 = vector.shape_cast %get3A_90 : vector<1x1x4096xi32> to vector<4096xi32>
    %get3A_92 = arith.constant 0 : index
    %get3A_93 = arith.constant 8 : index
    %get3A_94 = arith.constant 0 : index
    %get3A_95 = vector.load %arg2[%get3A_92, %get3A_93, %get3A_94] : memref<4x20x4096xi32, #tpu.memory_space<vmem>>, vector<1x1x4096xi32>
    %get3A_96 = vector.shape_cast %get3A_95 : vector<1x1x4096xi32> to vector<4096xi32>
    %get3A_97 = arith.constant 0 : index
    %get3A_98 = arith.constant 9 : index
    %get3A_99 = arith.constant 0 : index
    %get3A_100 = vector.load %arg2[%get3A_97, %get3A_98, %get3A_99] : memref<4x20x4096xi32, #tpu.memory_space<vmem>>, vector<1x1x4096xi32>
    %get3A_101 = vector.shape_cast %get3A_100 : vector<1x1x4096xi32> to vector<4096xi32>
    %get3A_102 = arith.constant 0 : index
    %get3A_103 = arith.constant 10 : index
    %get3A_104 = arith.constant 0 : index
    %get3A_105 = vector.load %arg2[%get3A_102, %get3A_103, %get3A_104] : memref<4x20x4096xi32, #tpu.memory_space<vmem>>, vector<1x1x4096xi32>
    %get3A_106 = vector.shape_cast %get3A_105 : vector<1x1x4096xi32> to vector<4096xi32>
    %get3A_107 = arith.constant 0 : index
    %get3A_108 = arith.constant 11 : index
    %get3A_109 = arith.constant 0 : index
    %get3A_110 = vector.load %arg2[%get3A_107, %get3A_108, %get3A_109] : memref<4x20x4096xi32, #tpu.memory_space<vmem>>, vector<1x1x4096xi32>
    %get3A_111 = vector.shape_cast %get3A_110 : vector<1x1x4096xi32> to vector<4096xi32>
    %get3A_112 = arith.constant 0 : index
    %get3A_113 = arith.constant 12 : index
    %get3A_114 = arith.constant 0 : index
    %get3A_115 = vector.load %arg2[%get3A_112, %get3A_113, %get3A_114] : memref<4x20x4096xi32, #tpu.memory_space<vmem>>, vector<1x1x4096xi32>
    %get3A_116 = vector.shape_cast %get3A_115 : vector<1x1x4096xi32> to vector<4096xi32>
    %get3A_117 = arith.constant 0 : index
    %get3A_118 = arith.constant 13 : index
    %get3A_119 = arith.constant 0 : index
    %get3A_120 = vector.load %arg2[%get3A_117, %get3A_118, %get3A_119] : memref<4x20x4096xi32, #tpu.memory_space<vmem>>, vector<1x1x4096xi32>
    %get3A_121 = vector.shape_cast %get3A_120 : vector<1x1x4096xi32> to vector<4096xi32>
    %get3A_122 = arith.constant 0 : index
    %get3A_123 = arith.constant 14 : index
    %get3A_124 = arith.constant 0 : index
    %get3A_125 = vector.load %arg2[%get3A_122, %get3A_123, %get3A_124] : memref<4x20x4096xi32, #tpu.memory_space<vmem>>, vector<1x1x4096xi32>
    %get3A_126 = vector.shape_cast %get3A_125 : vector<1x1x4096xi32> to vector<4096xi32>
    %get3A_127 = arith.constant 0 : index
    %get3A_128 = arith.constant 15 : index
    %get3A_129 = arith.constant 0 : index
    %get3A_130 = vector.load %arg2[%get3A_127, %get3A_128, %get3A_129] : memref<4x20x4096xi32, #tpu.memory_space<vmem>>, vector<1x1x4096xi32>
    %get3A_131 = vector.shape_cast %get3A_130 : vector<1x1x4096xi32> to vector<4096xi32>
    %get3A_132 = arith.constant 0 : index
    %get3A_133 = arith.constant 16 : index
    %get3A_134 = arith.constant 0 : index
    %get3A_135 = vector.load %arg2[%get3A_132, %get3A_133, %get3A_134] : memref<4x20x4096xi32, #tpu.memory_space<vmem>>, vector<1x1x4096xi32>
    %get3A_136 = vector.shape_cast %get3A_135 : vector<1x1x4096xi32> to vector<4096xi32>
    %get3A_137 = arith.constant 0 : index
    %get3A_138 = arith.constant 17 : index
    %get3A_139 = arith.constant 0 : index
    %get3A_140 = vector.load %arg2[%get3A_137, %get3A_138, %get3A_139] : memref<4x20x4096xi32, #tpu.memory_space<vmem>>, vector<1x1x4096xi32>
    %get3A_141 = vector.shape_cast %get3A_140 : vector<1x1x4096xi32> to vector<4096xi32>
    %get3A_142 = arith.constant 0 : index
    %get3A_143 = arith.constant 18 : index
    %get3A_144 = arith.constant 0 : index
    %get3A_145 = vector.load %arg2[%get3A_142, %get3A_143, %get3A_144] : memref<4x20x4096xi32, #tpu.memory_space<vmem>>, vector<1x1x4096xi32>
    %get3A_146 = vector.shape_cast %get3A_145 : vector<1x1x4096xi32> to vector<4096xi32>
    %get3A_147 = arith.constant 0 : index
    %get3A_148 = arith.constant 19 : index
    %get3A_149 = arith.constant 0 : index
    %get3A_150 = vector.load %arg2[%get3A_147, %get3A_148, %get3A_149] : memref<4x20x4096xi32, #tpu.memory_space<vmem>>, vector<1x1x4096xi32>
    %get3A_151 = vector.shape_cast %get3A_150 : vector<1x1x4096xi32> to vector<4096xi32>
    %shift_left3A = arith.constant 1 : i32
    %shift_left3A_152 = vector.broadcast %shift_left3A : i32 to vector<4096xi32>
    %shift_left3A_153 = arith.shli %get3A_61, %shift_left3A_152 : vector<4096xi32>
    %shift_left3A_154 = arith.constant 2 : i32
    %shift_left3A_155 = vector.broadcast %shift_left3A_154 : i32 to vector<4096xi32>
    %shift_left3A_156 = arith.shli %get3A_66, %shift_left3A_155 : vector<4096xi32>
    %shift_left3A_157 = arith.constant 3 : i32
    %shift_left3A_158 = vector.broadcast %shift_left3A_157 : i32 to vector<4096xi32>
    %shift_left3A_159 = arith.shli %get3A_71, %shift_left3A_158 : vector<4096xi32>
    %shift_left3A_160 = arith.constant 4 : i32
    %shift_left3A_161 = vector.broadcast %shift_left3A_160 : i32 to vector<4096xi32>
    %shift_left3A_162 = arith.shli %get3A_76, %shift_left3A_161 : vector<4096xi32>
    %shift_left3A_163 = arith.constant 5 : i32
    %shift_left3A_164 = vector.broadcast %shift_left3A_163 : i32 to vector<4096xi32>
    %shift_left3A_165 = arith.shli %get3A_81, %shift_left3A_164 : vector<4096xi32>
    %shift_left3A_166 = arith.constant 6 : i32
    %shift_left3A_167 = vector.broadcast %shift_left3A_166 : i32 to vector<4096xi32>
    %shift_left3A_168 = arith.shli %get3A_86, %shift_left3A_167 : vector<4096xi32>
    %shift_left3A_169 = arith.constant 7 : i32
    %shift_left3A_170 = vector.broadcast %shift_left3A_169 : i32 to vector<4096xi32>
    %shift_left3A_171 = arith.shli %get3A_91, %shift_left3A_170 : vector<4096xi32>
    %shift_left3A_172 = arith.constant 8 : i32
    %shift_left3A_173 = vector.broadcast %shift_left3A_172 : i32 to vector<4096xi32>
    %shift_left3A_174 = arith.shli %get3A_96, %shift_left3A_173 : vector<4096xi32>
    %shift_left3A_175 = arith.constant 9 : i32
    %shift_left3A_176 = vector.broadcast %shift_left3A_175 : i32 to vector<4096xi32>
    %shift_left3A_177 = arith.shli %get3A_101, %shift_left3A_176 : vector<4096xi32>
    %shift_left3A_178 = arith.constant 10 : i32
    %shift_left3A_179 = vector.broadcast %shift_left3A_178 : i32 to vector<4096xi32>
    %shift_left3A_180 = arith.shli %get3A_106, %shift_left3A_179 : vector<4096xi32>
    %shift_left3A_181 = arith.constant 11 : i32
    %shift_left3A_182 = vector.broadcast %shift_left3A_181 : i32 to vector<4096xi32>
    %shift_left3A_183 = arith.shli %get3A_111, %shift_left3A_182 : vector<4096xi32>
    %shift_left3A_184 = arith.constant 12 : i32
    %shift_left3A_185 = vector.broadcast %shift_left3A_184 : i32 to vector<4096xi32>
    %shift_left3A_186 = arith.shli %get3A_116, %shift_left3A_185 : vector<4096xi32>
    %shift_left3A_187 = arith.constant 13 : i32
    %shift_left3A_188 = vector.broadcast %shift_left3A_187 : i32 to vector<4096xi32>
    %shift_left3A_189 = arith.shli %get3A_121, %shift_left3A_188 : vector<4096xi32>
    %shift_left3A_190 = arith.constant 14 : i32
    %shift_left3A_191 = vector.broadcast %shift_left3A_190 : i32 to vector<4096xi32>
    %shift_left3A_192 = arith.shli %get3A_126, %shift_left3A_191 : vector<4096xi32>
    %shift_left3A_193 = arith.constant 15 : i32
    %shift_left3A_194 = vector.broadcast %shift_left3A_193 : i32 to vector<4096xi32>
    %shift_left3A_195 = arith.shli %get3A_131, %shift_left3A_194 : vector<4096xi32>
    %shift_left3A_196 = arith.constant 16 : i32
    %shift_left3A_197 = vector.broadcast %shift_left3A_196 : i32 to vector<4096xi32>
    %shift_left3A_198 = arith.shli %get3A_136, %shift_left3A_197 : vector<4096xi32>
    %shift_left3A_199 = arith.constant 17 : i32
    %shift_left3A_200 = vector.broadcast %shift_left3A_199 : i32 to vector<4096xi32>
    %shift_left3A_201 = arith.shli %get3A_141, %shift_left3A_200 : vector<4096xi32>
    %shift_left3A_202 = arith.constant 18 : i32
    %shift_left3A_203 = vector.broadcast %shift_left3A_202 : i32 to vector<4096xi32>
    %shift_left3A_204 = arith.shli %get3A_146, %shift_left3A_203 : vector<4096xi32>
    %shift_left3A_205 = arith.constant 19 : i32
    %shift_left3A_206 = vector.broadcast %shift_left3A_205 : i32 to vector<4096xi32>
    %shift_left3A_207 = arith.shli %get3A_151, %shift_left3A_206 : vector<4096xi32>
    %or3A = arith.ori %get3A_56, %shift_left3A_153 : vector<4096xi32>
    %or3A_208 = arith.ori %shift_left3A_156, %shift_left3A_159 : vector<4096xi32>
    %or3A_209 = arith.ori %shift_left3A_162, %shift_left3A_165 : vector<4096xi32>
    %or3A_210 = arith.ori %shift_left3A_168, %shift_left3A_171 : vector<4096xi32>
    %or3A_211 = arith.ori %shift_left3A_174, %shift_left3A_177 : vector<4096xi32>
    %or3A_212 = arith.ori %shift_left3A_180, %shift_left3A_183 : vector<4096xi32>
    %or3A_213 = arith.ori %shift_left3A_186, %shift_left3A_189 : vector<4096xi32>
    %or3A_214 = arith.ori %shift_left3A_192, %shift_left3A_195 : vector<4096xi32>
    %or3A_215 = arith.ori %shift_left3A_198, %shift_left3A_201 : vector<4096xi32>
    %or3A_216 = arith.ori %shift_left3A_204, %shift_left3A_207 : vector<4096xi32>
    %or3A_217 = arith.ori %or3A, %or3A_208 : vector<4096xi32>
    %or3A_218 = arith.ori %or3A_209, %or3A_210 : vector<4096xi32>
    %or3A_219 = arith.ori %or3A_211, %or3A_212 : vector<4096xi32>
    %or3A_220 = arith.ori %or3A_213, %or3A_214 : vector<4096xi32>
    %or3A_221 = arith.ori %or3A_215, %or3A_216 : vector<4096xi32>
    %or3A_222 = arith.ori %or3A_217, %or3A_218 : vector<4096xi32>
    %or3A_223 = arith.ori %or3A_219, %or3A_220 : vector<4096xi32>
    %or3A_224 = arith.ori %or3A_222, %or3A_223 : vector<4096xi32>
    %or3A_225 = arith.ori %or3A_224, %or3A_221 : vector<4096xi32>
    %swap3A = arith.constant 0 : index
    %swap3A_226 = vector.load %arg3[%swap3A] : memref<16384xi32, #tpu.memory_space<vmem>>, vector<4096xi32>
    tpu.vector_store %arg3[%swap3A], %or3A_225 {strides = array<i32>} : memref<16384xi32, #tpu.memory_space<vmem>>, vector<4096xi32>,
    %dma_start3A_227 = arith.constant 0 : i32
    %dma_start3A_228 = tpu.memref_slice %arg5[%dma_start3A_227] : memref<4x!tpu.dma_semaphore, #tpu.memory_space<semaphore_mem>> -> memref<1x!tpu.dma_semaphore, #tpu.memory_space<semaphore_mem>>
    %dma_start3A_229 = tpu.memref_squeeze %dma_start3A_228 : memref<1x!tpu.dma_semaphore, #tpu.memory_space<semaphore_mem>> -> memref<!tpu.dma_semaphore, #tpu.memory_space<semaphore_mem>>
    %dma_start3A_230 = arith.constant 0 : i32
    %dma_start3A_231 = tpu.memref_slice %arg1[%dma_start3A_230] : memref<16384xi32, #tpu.memory_space<any>> -> memref<4096xi32, #tpu.memory_space<any>>
    %dma_start3A_232 = arith.constant 0 : i32
    %dma_start3A_233 = tpu.memref_slice %arg3[%dma_start3A_232] : memref<16384xi32, #tpu.memory_space<vmem>> -> memref<4096xi32, #tpu.memory_space<vmem>>
    tpu.enqueue_dma source(%dma_start3A_233 : memref<4096xi32, #tpu.memory_space<vmem>>) target(%dma_start3A_231 : memref<4096xi32, #tpu.memory_space<any>>) target_semaphore(%dma_start3A_229 : memref<!tpu.dma_semaphore, #tpu.memory_space<semaphore_mem>>)
    %dma_wait3A_234 = arith.constant 1 : i32
    %dma_wait3A_235 = arith.constant 1 : i32
    %dma_wait3A_236 = tpu.memref_slice %arg4[%dma_wait3A_235] : memref<4x!tpu.dma_semaphore, #tpu.memory_space<semaphore_mem>> -> memref<1x!tpu.dma_semaphore, #tpu.memory_space<semaphore_mem>>
    %dma_wait3A_237 = tpu.memref_squeeze %dma_wait3A_236 : memref<1x!tpu.dma_semaphore, #tpu.memory_space<semaphore_mem>> -> memref<!tpu.dma_semaphore, #tpu.memory_space<semaphore_mem>>
    %dma_wait3A_238 = arith.constant 0 : i32
    %dma_wait3A_239 = arith.constant 0 : i32
    %dma_wait3A_240 = tpu.memref_slice %arg2[%dma_wait3A_234, %dma_wait3A_238, %dma_wait3A_239] : memref<4x20x4096xi32, #tpu.memory_space<vmem>> -> memref<1x20x4096xi32, #tpu.memory_space<vmem>>
    %dma_wait3A_241 = tpu.memref_squeeze %dma_wait3A_240 : memref<1x20x4096xi32, #tpu.memory_space<vmem>> -> memref<20x4096xi32, #tpu.memory_space<vmem>>
    %dma_wait3A_242 = arith.constant 0 : i32
    %dma_wait3A_243 = arith.constant 4096 : i32
    %dma_wait3A_244 = tpu.memref_slice %arg0[%dma_wait3A_242, %dma_wait3A_243] : memref<20x16384xi32, #tpu.memory_space<any>> -> memref<20x4096xi32, #tpu.memory_space<any>>
    tpu.wait_dma2 semaphore(%dma_wait3A_237 : memref<!tpu.dma_semaphore, #tpu.memory_space<semaphore_mem>>) src(%dma_wait3A_244 : memref<20x4096xi32, #tpu.memory_space<any>>) dst(%dma_wait3A_241 : memref<20x4096xi32, #tpu.memory_space<vmem>>)
    %get3A_245 = arith.constant 1 : index
    %get3A_246 = arith.constant 0 : index
    %get3A_247 = arith.constant 0 : index
    %get3A_248 = vector.load %arg2[%get3A_245, %get3A_246, %get3A_247] : memref<4x20x4096xi32, #tpu.memory_space<vmem>>, vector<1x1x4096xi32>
    %get3A_249 = vector.shape_cast %get3A_248 : vector<1x1x4096xi32> to vector<4096xi32>
    %get3A_250 = arith.constant 1 : index
    %get3A_251 = arith.constant 1 : index
    %get3A_252 = arith.constant 0 : index
    %get3A_253 = vector.load %arg2[%get3A_250, %get3A_251, %get3A_252] : memref<4x20x4096xi32, #tpu.memory_space<vmem>>, vector<1x1x4096xi32>
    %get3A_254 = vector.shape_cast %get3A_253 : vector<1x1x4096xi32> to vector<4096xi32>
    %get3A_255 = arith.constant 1 : index
    %get3A_256 = arith.constant 2 : index
    %get3A_257 = arith.constant 0 : index
    %get3A_258 = vector.load %arg2[%get3A_255, %get3A_256, %get3A_257] : memref<4x20x4096xi32, #tpu.memory_space<vmem>>, vector<1x1x4096xi32>
    %get3A_259 = vector.shape_cast %get3A_258 : vector<1x1x4096xi32> to vector<4096xi32>
    %get3A_260 = arith.constant 1 : index
    %get3A_261 = arith.constant 3 : index
    %get3A_262 = arith.constant 0 : index
    %get3A_263 = vector.load %arg2[%get3A_260, %get3A_261, %get3A_262] : memref<4x20x4096xi32, #tpu.memory_space<vmem>>, vector<1x1x4096xi32>
    %get3A_264 = vector.shape_cast %get3A_263 : vector<1x1x4096xi32> to vector<4096xi32>
    %get3A_265 = arith.constant 1 : index
    %get3A_266 = arith.constant 4 : index
    %get3A_267 = arith.constant 0 : index
    %get3A_268 = vector.load %arg2[%get3A_265, %get3A_266, %get3A_267] : memref<4x20x4096xi32, #tpu.memory_space<vmem>>, vector<1x1x4096xi32>
    %get3A_269 = vector.shape_cast %get3A_268 : vector<1x1x4096xi32> to vector<4096xi32>
    %get3A_270 = arith.constant 1 : index
    %get3A_271 = arith.constant 5 : index
    %get3A_272 = arith.constant 0 : index
    %get3A_273 = vector.load %arg2[%get3A_270, %get3A_271, %get3A_272] : memref<4x20x4096xi32, #tpu.memory_space<vmem>>, vector<1x1x4096xi32>
    %get3A_274 = vector.shape_cast %get3A_273 : vector<1x1x4096xi32> to vector<4096xi32>
    %get3A_275 = arith.constant 1 : index
    %get3A_276 = arith.constant 6 : index
    %get3A_277 = arith.constant 0 : index
    %get3A_278 = vector.load %arg2[%get3A_275, %get3A_276, %get3A_277] : memref<4x20x4096xi32, #tpu.memory_space<vmem>>, vector<1x1x4096xi32>
    %get3A_279 = vector.shape_cast %get3A_278 : vector<1x1x4096xi32> to vector<4096xi32>
    %get3A_280 = arith.constant 1 : index
    %get3A_281 = arith.constant 7 : index
    %get3A_282 = arith.constant 0 : index
    %get3A_283 = vector.load %arg2[%get3A_280, %get3A_281, %get3A_282] : memref<4x20x4096xi32, #tpu.memory_space<vmem>>, vector<1x1x4096xi32>
    %get3A_284 = vector.shape_cast %get3A_283 : vector<1x1x4096xi32> to vector<4096xi32>
    %get3A_285 = arith.constant 1 : index
    %get3A_286 = arith.constant 8 : index
    %get3A_287 = arith.constant 0 : index
    %get3A_288 = vector.load %arg2[%get3A_285, %get3A_286, %get3A_287] : memref<4x20x4096xi32, #tpu.memory_space<vmem>>, vector<1x1x4096xi32>
    %get3A_289 = vector.shape_cast %get3A_288 : vector<1x1x4096xi32> to vector<4096xi32>
    %get3A_290 = arith.constant 1 : index
    %get3A_291 = arith.constant 9 : index
    %get3A_292 = arith.constant 0 : index
    %get3A_293 = vector.load %arg2[%get3A_290, %get3A_291, %get3A_292] : memref<4x20x4096xi32, #tpu.memory_space<vmem>>, vector<1x1x4096xi32>
    %get3A_294 = vector.shape_cast %get3A_293 : vector<1x1x4096xi32> to vector<4096xi32>
    %get3A_295 = arith.constant 1 : index
    %get3A_296 = arith.constant 10 : index
    %get3A_297 = arith.constant 0 : index
    %get3A_298 = vector.load %arg2[%get3A_295, %get3A_296, %get3A_297] : memref<4x20x4096xi32, #tpu.memory_space<vmem>>, vector<1x1x4096xi32>
    %get3A_299 = vector.shape_cast %get3A_298 : vector<1x1x4096xi32> to vector<4096xi32>
    %get3A_300 = arith.constant 1 : index
    %get3A_301 = arith.constant 11 : index
    %get3A_302 = arith.constant 0 : index
    %get3A_303 = vector.load %arg2[%get3A_300, %get3A_301, %get3A_302] : memref<4x20x4096xi32, #tpu.memory_space<vmem>>, vector<1x1x4096xi32>
    %get3A_304 = vector.shape_cast %get3A_303 : vector<1x1x4096xi32> to vector<4096xi32>
    %get3A_305 = arith.constant 1 : index
    %get3A_306 = arith.constant 12 : index
    %get3A_307 = arith.constant 0 : index
    %get3A_308 = vector.load %arg2[%get3A_305, %get3A_306, %get3A_307] : memref<4x20x4096xi32, #tpu.memory_space<vmem>>, vector<1x1x4096xi32>
    %get3A_309 = vector.shape_cast %get3A_308 : vector<1x1x4096xi32> to vector<4096xi32>
    %get3A_310 = arith.constant 1 : index
    %get3A_311 = arith.constant 13 : index
    %get3A_312 = arith.constant 0 : index
    %get3A_313 = vector.load %arg2[%get3A_310, %get3A_311, %get3A_312] : memref<4x20x4096xi32, #tpu.memory_space<vmem>>, vector<1x1x4096xi32>
    %get3A_314 = vector.shape_cast %get3A_313 : vector<1x1x4096xi32> to vector<4096xi32>
    %get3A_315 = arith.constant 1 : index
    %get3A_316 = arith.constant 14 : index
    %get3A_317 = arith.constant 0 : index
    %get3A_318 = vector.load %arg2[%get3A_315, %get3A_316, %get3A_317] : memref<4x20x4096xi32, #tpu.memory_space<vmem>>, vector<1x1x4096xi32>
    %get3A_319 = vector.shape_cast %get3A_318 : vector<1x1x4096xi32> to vector<4096xi32>
    %get3A_320 = arith.constant 1 : index
    %get3A_321 = arith.constant 15 : index
    %get3A_322 = arith.constant 0 : index
    %get3A_323 = vector.load %arg2[%get3A_320, %get3A_321, %get3A_322] : memref<4x20x4096xi32, #tpu.memory_space<vmem>>, vector<1x1x4096xi32>
    %get3A_324 = vector.shape_cast %get3A_323 : vector<1x1x4096xi32> to vector<4096xi32>
    %get3A_325 = arith.constant 1 : index
    %get3A_326 = arith.constant 16 : index
    %get3A_327 = arith.constant 0 : index
    %get3A_328 = vector.load %arg2[%get3A_325, %get3A_326, %get3A_327] : memref<4x20x4096xi32, #tpu.memory_space<vmem>>, vector<1x1x4096xi32>
    %get3A_329 = vector.shape_cast %get3A_328 : vector<1x1x4096xi32> to vector<4096xi32>
    %get3A_330 = arith.constant 1 : index
    %get3A_331 = arith.constant 17 : index
    %get3A_332 = arith.constant 0 : index
    %get3A_333 = vector.load %arg2[%get3A_330, %get3A_331, %get3A_332] : memref<4x20x4096xi32, #tpu.memory_space<vmem>>, vector<1x1x4096xi32>
    %get3A_334 = vector.shape_cast %get3A_333 : vector<1x1x4096xi32> to vector<4096xi32>
    %get3A_335 = arith.constant 1 : index
    %get3A_336 = arith.constant 18 : index
    %get3A_337 = arith.constant 0 : index
    %get3A_338 = vector.load %arg2[%get3A_335, %get3A_336, %get3A_337] : memref<4x20x4096xi32, #tpu.memory_space<vmem>>, vector<1x1x4096xi32>
    %get3A_339 = vector.shape_cast %get3A_338 : vector<1x1x4096xi32> to vector<4096xi32>
    %get3A_340 = arith.constant 1 : index
    %get3A_341 = arith.constant 19 : index
    %get3A_342 = arith.constant 0 : index
    %get3A_343 = vector.load %arg2[%get3A_340, %get3A_341, %get3A_342] : memref<4x20x4096xi32, #tpu.memory_space<vmem>>, vector<1x1x4096xi32>
    %get3A_344 = vector.shape_cast %get3A_343 : vector<1x1x4096xi32> to vector<4096xi32>
    %shift_left3A_345 = arith.constant 1 : i32
    %shift_left3A_346 = vector.broadcast %shift_left3A_345 : i32 to vector<4096xi32>
    %shift_left3A_347 = arith.shli %get3A_254, %shift_left3A_346 : vector<4096xi32>
    %shift_left3A_348 = arith.constant 2 : i32
    %shift_left3A_349 = vector.broadcast %shift_left3A_348 : i32 to vector<4096xi32>
    %shift_left3A_350 = arith.shli %get3A_259, %shift_left3A_349 : vector<4096xi32>
    %shift_left3A_351 = arith.constant 3 : i32
    %shift_left3A_352 = vector.broadcast %shift_left3A_351 : i32 to vector<4096xi32>
    %shift_left3A_353 = arith.shli %get3A_264, %shift_left3A_352 : vector<4096xi32>
    %shift_left3A_354 = arith.constant 4 : i32
    %shift_left3A_355 = vector.broadcast %shift_left3A_354 : i32 to vector<4096xi32>
    %shift_left3A_356 = arith.shli %get3A_269, %shift_left3A_355 : vector<4096xi32>
    %shift_left3A_357 = arith.constant 5 : i32
    %shift_left3A_358 = vector.broadcast %shift_left3A_357 : i32 to vector<4096xi32>
    %shift_left3A_359 = arith.shli %get3A_274, %shift_left3A_358 : vector<4096xi32>
    %shift_left3A_360 = arith.constant 6 : i32
    %shift_left3A_361 = vector.broadcast %shift_left3A_360 : i32 to vector<4096xi32>
    %shift_left3A_362 = arith.shli %get3A_279, %shift_left3A_361 : vector<4096xi32>
    %shift_left3A_363 = arith.constant 7 : i32
    %shift_left3A_364 = vector.broadcast %shift_left3A_363 : i32 to vector<4096xi32>
    %shift_left3A_365 = arith.shli %get3A_284, %shift_left3A_364 : vector<4096xi32>
    %shift_left3A_366 = arith.constant 8 : i32
    %shift_left3A_367 = vector.broadcast %shift_left3A_366 : i32 to vector<4096xi32>
    %shift_left3A_368 = arith.shli %get3A_289, %shift_left3A_367 : vector<4096xi32>
    %shift_left3A_369 = arith.constant 9 : i32
    %shift_left3A_370 = vector.broadcast %shift_left3A_369 : i32 to vector<4096xi32>
    %shift_left3A_371 = arith.shli %get3A_294, %shift_left3A_370 : vector<4096xi32>
    %shift_left3A_372 = arith.constant 10 : i32
    %shift_left3A_373 = vector.broadcast %shift_left3A_372 : i32 to vector<4096xi32>
    %shift_left3A_374 = arith.shli %get3A_299, %shift_left3A_373 : vector<4096xi32>
    %shift_left3A_375 = arith.constant 11 : i32
    %shift_left3A_376 = vector.broadcast %shift_left3A_375 : i32 to vector<4096xi32>
    %shift_left3A_377 = arith.shli %get3A_304, %shift_left3A_376 : vector<4096xi32>
    %shift_left3A_378 = arith.constant 12 : i32
    %shift_left3A_379 = vector.broadcast %shift_left3A_378 : i32 to vector<4096xi32>
    %shift_left3A_380 = arith.shli %get3A_309, %shift_left3A_379 : vector<4096xi32>
    %shift_left3A_381 = arith.constant 13 : i32
    %shift_left3A_382 = vector.broadcast %shift_left3A_381 : i32 to vector<4096xi32>
    %shift_left3A_383 = arith.shli %get3A_314, %shift_left3A_382 : vector<4096xi32>
    %shift_left3A_384 = arith.constant 14 : i32
    %shift_left3A_385 = vector.broadcast %shift_left3A_384 : i32 to vector<4096xi32>
    %shift_left3A_386 = arith.shli %get3A_319, %shift_left3A_385 : vector<4096xi32>
    %shift_left3A_387 = arith.constant 15 : i32
    %shift_left3A_388 = vector.broadcast %shift_left3A_387 : i32 to vector<4096xi32>
    %shift_left3A_389 = arith.shli %get3A_324, %shift_left3A_388 : vector<4096xi32>
    %shift_left3A_390 = arith.constant 16 : i32
    %shift_left3A_391 = vector.broadcast %shift_left3A_390 : i32 to vector<4096xi32>
    %shift_left3A_392 = arith.shli %get3A_329, %shift_left3A_391 : vector<4096xi32>
    %shift_left3A_393 = arith.constant 17 : i32
    %shift_left3A_394 = vector.broadcast %shift_left3A_393 : i32 to vector<4096xi32>
    %shift_left3A_395 = arith.shli %get3A_334, %shift_left3A_394 : vector<4096xi32>
    %shift_left3A_396 = arith.constant 18 : i32
    %shift_left3A_397 = vector.broadcast %shift_left3A_396 : i32 to vector<4096xi32>
    %shift_left3A_398 = arith.shli %get3A_339, %shift_left3A_397 : vector<4096xi32>
    %shift_left3A_399 = arith.constant 19 : i32
    %shift_left3A_400 = vector.broadcast %shift_left3A_399 : i32 to vector<4096xi32>
    %shift_left3A_401 = arith.shli %get3A_344, %shift_left3A_400 : vector<4096xi32>
    %or3A_402 = arith.ori %get3A_249, %shift_left3A_347 : vector<4096xi32>
    %or3A_403 = arith.ori %shift_left3A_350, %shift_left3A_353 : vector<4096xi32>
    %or3A_404 = arith.ori %shift_left3A_356, %shift_left3A_359 : vector<4096xi32>
    %or3A_405 = arith.ori %shift_left3A_362, %shift_left3A_365 : vector<4096xi32>
    %or3A_406 = arith.ori %shift_left3A_368, %shift_left3A_371 : vector<4096xi32>
    %or3A_407 = arith.ori %shift_left3A_374, %shift_left3A_377 : vector<4096xi32>
    %or3A_408 = arith.ori %shift_left3A_380, %shift_left3A_383 : vector<4096xi32>
    %or3A_409 = arith.ori %shift_left3A_386, %shift_left3A_389 : vector<4096xi32>
    %or3A_410 = arith.ori %shift_left3A_392, %shift_left3A_395 : vector<4096xi32>
    %or3A_411 = arith.ori %shift_left3A_398, %shift_left3A_401 : vector<4096xi32>
    %or3A_412 = arith.ori %or3A_402, %or3A_403 : vector<4096xi32>
    %or3A_413 = arith.ori %or3A_404, %or3A_405 : vector<4096xi32>
    %or3A_414 = arith.ori %or3A_406, %or3A_407 : vector<4096xi32>
    %or3A_415 = arith.ori %or3A_408, %or3A_409 : vector<4096xi32>
    %or3A_416 = arith.ori %or3A_410, %or3A_411 : vector<4096xi32>
    %or3A_417 = arith.ori %or3A_412, %or3A_413 : vector<4096xi32>
    %or3A_418 = arith.ori %or3A_414, %or3A_415 : vector<4096xi32>
    %or3A_419 = arith.ori %or3A_417, %or3A_418 : vector<4096xi32>
    %or3A_420 = arith.ori %or3A_419, %or3A_416 : vector<4096xi32>
    %swap3A_421 = arith.constant 4096 : index
    %swap3A_422 = vector.load %arg3[%swap3A_421] : memref<16384xi32, #tpu.memory_space<vmem>>, vector<4096xi32>
    tpu.vector_store %arg3[%swap3A_421], %or3A_420 {strides = array<i32>} : memref<16384xi32, #tpu.memory_space<vmem>>, vector<4096xi32>,
    %dma_start3A_423 = arith.constant 1 : i32
    %dma_start3A_424 = tpu.memref_slice %arg5[%dma_start3A_423] : memref<4x!tpu.dma_semaphore, #tpu.memory_space<semaphore_mem>> -> memref<1x!tpu.dma_semaphore, #tpu.memory_space<semaphore_mem>>
    %dma_start3A_425 = tpu.memref_squeeze %dma_start3A_424 : memref<1x!tpu.dma_semaphore, #tpu.memory_space<semaphore_mem>> -> memref<!tpu.dma_semaphore, #tpu.memory_space<semaphore_mem>>
    %dma_start3A_426 = arith.constant 4096 : i32
    %dma_start3A_427 = tpu.memref_slice %arg1[%dma_start3A_426] : memref<16384xi32, #tpu.memory_space<any>> -> memref<4096xi32, #tpu.memory_space<any>>
    %dma_start3A_428 = arith.constant 4096 : i32
    %dma_start3A_429 = tpu.memref_slice %arg3[%dma_start3A_428] : memref<16384xi32, #tpu.memory_space<vmem>> -> memref<4096xi32, #tpu.memory_space<vmem>>
    tpu.enqueue_dma source(%dma_start3A_429 : memref<4096xi32, #tpu.memory_space<vmem>>) target(%dma_start3A_427 : memref<4096xi32, #tpu.memory_space<any>>) target_semaphore(%dma_start3A_425 : memref<!tpu.dma_semaphore, #tpu.memory_space<semaphore_mem>>)
    %dma_wait3A_430 = arith.constant 2 : i32
    %dma_wait3A_431 = arith.constant 2 : i32
    %dma_wait3A_432 = tpu.memref_slice %arg4[%dma_wait3A_431] : memref<4x!tpu.dma_semaphore, #tpu.memory_space<semaphore_mem>> -> memref<1x!tpu.dma_semaphore, #tpu.memory_space<semaphore_mem>>
    %dma_wait3A_433 = tpu.memref_squeeze %dma_wait3A_432 : memref<1x!tpu.dma_semaphore, #tpu.memory_space<semaphore_mem>> -> memref<!tpu.dma_semaphore, #tpu.memory_space<semaphore_mem>>
    %dma_wait3A_434 = arith.constant 0 : i32
    %dma_wait3A_435 = arith.constant 0 : i32
    %dma_wait3A_436 = tpu.memref_slice %arg2[%dma_wait3A_430, %dma_wait3A_434, %dma_wait3A_435] : memref<4x20x4096xi32, #tpu.memory_space<vmem>> -> memref<1x20x4096xi32, #tpu.memory_space<vmem>>
    %dma_wait3A_437 = tpu.memref_squeeze %dma_wait3A_436 : memref<1x20x4096xi32, #tpu.memory_space<vmem>> -> memref<20x4096xi32, #tpu.memory_space<vmem>>
    %dma_wait3A_438 = arith.constant 0 : i32
    %dma_wait3A_439 = arith.constant 8192 : i32
    %dma_wait3A_440 = tpu.memref_slice %arg0[%dma_wait3A_438, %dma_wait3A_439] : memref<20x16384xi32, #tpu.memory_space<any>> -> memref<20x4096xi32, #tpu.memory_space<any>>
    tpu.wait_dma2 semaphore(%dma_wait3A_433 : memref<!tpu.dma_semaphore, #tpu.memory_space<semaphore_mem>>) src(%dma_wait3A_440 : memref<20x4096xi32, #tpu.memory_space<any>>) dst(%dma_wait3A_437 : memref<20x4096xi32, #tpu.memory_space<vmem>>)
    %get3A_441 = arith.constant 2 : index
    %get3A_442 = arith.constant 0 : index
    %get3A_443 = arith.constant 0 : index
    %get3A_444 = vector.load %arg2[%get3A_441, %get3A_442, %get3A_443] : memref<4x20x4096xi32, #tpu.memory_space<vmem>>, vector<1x1x4096xi32>
    %get3A_445 = vector.shape_cast %get3A_444 : vector<1x1x4096xi32> to vector<4096xi32>
    %get3A_446 = arith.constant 2 : index
    %get3A_447 = arith.constant 1 : index
    %get3A_448 = arith.constant 0 : index
    %get3A_449 = vector.load %arg2[%get3A_446, %get3A_447, %get3A_448] : memref<4x20x4096xi32, #tpu.memory_space<vmem>>, vector<1x1x4096xi32>
    %get3A_450 = vector.shape_cast %get3A_449 : vector<1x1x4096xi32> to vector<4096xi32>
    %get3A_451 = arith.constant 2 : index
    %get3A_452 = arith.constant 2 : index
    %get3A_453 = arith.constant 0 : index
    %get3A_454 = vector.load %arg2[%get3A_451, %get3A_452, %get3A_453] : memref<4x20x4096xi32, #tpu.memory_space<vmem>>, vector<1x1x4096xi32>
    %get3A_455 = vector.shape_cast %get3A_454 : vector<1x1x4096xi32> to vector<4096xi32>
    %get3A_456 = arith.constant 2 : index
    %get3A_457 = arith.constant 3 : index
    %get3A_458 = arith.constant 0 : index
    %get3A_459 = vector.load %arg2[%get3A_456, %get3A_457, %get3A_458] : memref<4x20x4096xi32, #tpu.memory_space<vmem>>, vector<1x1x4096xi32>
    %get3A_460 = vector.shape_cast %get3A_459 : vector<1x1x4096xi32> to vector<4096xi32>
    %get3A_461 = arith.constant 2 : index
    %get3A_462 = arith.constant 4 : index
    %get3A_463 = arith.constant 0 : index
    %get3A_464 = vector.load %arg2[%get3A_461, %get3A_462, %get3A_463] : memref<4x20x4096xi32, #tpu.memory_space<vmem>>, vector<1x1x4096xi32>
    %get3A_465 = vector.shape_cast %get3A_464 : vector<1x1x4096xi32> to vector<4096xi32>
    %get3A_466 = arith.constant 2 : index
    %get3A_467 = arith.constant 5 : index
    %get3A_468 = arith.constant 0 : index
    %get3A_469 = vector.load %arg2[%get3A_466, %get3A_467, %get3A_468] : memref<4x20x4096xi32, #tpu.memory_space<vmem>>, vector<1x1x4096xi32>
    %get3A_470 = vector.shape_cast %get3A_469 : vector<1x1x4096xi32> to vector<4096xi32>
    %get3A_471 = arith.constant 2 : index
    %get3A_472 = arith.constant 6 : index
    %get3A_473 = arith.constant 0 : index
    %get3A_474 = vector.load %arg2[%get3A_471, %get3A_472, %get3A_473] : memref<4x20x4096xi32, #tpu.memory_space<vmem>>, vector<1x1x4096xi32>
    %get3A_475 = vector.shape_cast %get3A_474 : vector<1x1x4096xi32> to vector<4096xi32>
    %get3A_476 = arith.constant 2 : index
    %get3A_477 = arith.constant 7 : index
    %get3A_478 = arith.constant 0 : index
    %get3A_479 = vector.load %arg2[%get3A_476, %get3A_477, %get3A_478] : memref<4x20x4096xi32, #tpu.memory_space<vmem>>, vector<1x1x4096xi32>
    %get3A_480 = vector.shape_cast %get3A_479 : vector<1x1x4096xi32> to vector<4096xi32>
    %get3A_481 = arith.constant 2 : index
    %get3A_482 = arith.constant 8 : index
    %get3A_483 = arith.constant 0 : index
    %get3A_484 = vector.load %arg2[%get3A_481, %get3A_482, %get3A_483] : memref<4x20x4096xi32, #tpu.memory_space<vmem>>, vector<1x1x4096xi32>
    %get3A_485 = vector.shape_cast %get3A_484 : vector<1x1x4096xi32> to vector<4096xi32>
    %get3A_486 = arith.constant 2 : index
    %get3A_487 = arith.constant 9 : index
    %get3A_488 = arith.constant 0 : index
    %get3A_489 = vector.load %arg2[%get3A_486, %get3A_487, %get3A_488] : memref<4x20x4096xi32, #tpu.memory_space<vmem>>, vector<1x1x4096xi32>
    %get3A_490 = vector.shape_cast %get3A_489 : vector<1x1x4096xi32> to vector<4096xi32>
    %get3A_491 = arith.constant 2 : index
    %get3A_492 = arith.constant 10 : index
    %get3A_493 = arith.constant 0 : index
    %get3A_494 = vector.load %arg2[%get3A_491, %get3A_492, %get3A_493] : memref<4x20x4096xi32, #tpu.memory_space<vmem>>, vector<1x1x4096xi32>
    %get3A_495 = vector.shape_cast %get3A_494 : vector<1x1x4096xi32> to vector<4096xi32>
    %get3A_496 = arith.constant 2 : index
    %get3A_497 = arith.constant 11 : index
    %get3A_498 = arith.constant 0 : index
    %get3A_499 = vector.load %arg2[%get3A_496, %get3A_497, %get3A_498] : memref<4x20x4096xi32, #tpu.memory_space<vmem>>, vector<1x1x4096xi32>
    %get3A_500 = vector.shape_cast %get3A_499 : vector<1x1x4096xi32> to vector<4096xi32>
    %get3A_501 = arith.constant 2 : index
    %get3A_502 = arith.constant 12 : index
    %get3A_503 = arith.constant 0 : index
    %get3A_504 = vector.load %arg2[%get3A_501, %get3A_502, %get3A_503] : memref<4x20x4096xi32, #tpu.memory_space<vmem>>, vector<1x1x4096xi32>
    %get3A_505 = vector.shape_cast %get3A_504 : vector<1x1x4096xi32> to vector<4096xi32>
    %get3A_506 = arith.constant 2 : index
    %get3A_507 = arith.constant 13 : index
    %get3A_508 = arith.constant 0 : index
    %get3A_509 = vector.load %arg2[%get3A_506, %get3A_507, %get3A_508] : memref<4x20x4096xi32, #tpu.memory_space<vmem>>, vector<1x1x4096xi32>
    %get3A_510 = vector.shape_cast %get3A_509 : vector<1x1x4096xi32> to vector<4096xi32>
    %get3A_511 = arith.constant 2 : index
    %get3A_512 = arith.constant 14 : index
    %get3A_513 = arith.constant 0 : index
    %get3A_514 = vector.load %arg2[%get3A_511, %get3A_512, %get3A_513] : memref<4x20x4096xi32, #tpu.memory_space<vmem>>, vector<1x1x4096xi32>
    %get3A_515 = vector.shape_cast %get3A_514 : vector<1x1x4096xi32> to vector<4096xi32>
    %get3A_516 = arith.constant 2 : index
    %get3A_517 = arith.constant 15 : index
    %get3A_518 = arith.constant 0 : index
    %get3A_519 = vector.load %arg2[%get3A_516, %get3A_517, %get3A_518] : memref<4x20x4096xi32, #tpu.memory_space<vmem>>, vector<1x1x4096xi32>
    %get3A_520 = vector.shape_cast %get3A_519 : vector<1x1x4096xi32> to vector<4096xi32>
    %get3A_521 = arith.constant 2 : index
    %get3A_522 = arith.constant 16 : index
    %get3A_523 = arith.constant 0 : index
    %get3A_524 = vector.load %arg2[%get3A_521, %get3A_522, %get3A_523] : memref<4x20x4096xi32, #tpu.memory_space<vmem>>, vector<1x1x4096xi32>
    %get3A_525 = vector.shape_cast %get3A_524 : vector<1x1x4096xi32> to vector<4096xi32>
    %get3A_526 = arith.constant 2 : index
    %get3A_527 = arith.constant 17 : index
    %get3A_528 = arith.constant 0 : index
    %get3A_529 = vector.load %arg2[%get3A_526, %get3A_527, %get3A_528] : memref<4x20x4096xi32, #tpu.memory_space<vmem>>, vector<1x1x4096xi32>
    %get3A_530 = vector.shape_cast %get3A_529 : vector<1x1x4096xi32> to vector<4096xi32>
    %get3A_531 = arith.constant 2 : index
    %get3A_532 = arith.constant 18 : index
    %get3A_533 = arith.constant 0 : index
    %get3A_534 = vector.load %arg2[%get3A_531, %get3A_532, %get3A_533] : memref<4x20x4096xi32, #tpu.memory_space<vmem>>, vector<1x1x4096xi32>
    %get3A_535 = vector.shape_cast %get3A_534 : vector<1x1x4096xi32> to vector<4096xi32>
    %get3A_536 = arith.constant 2 : index
    %get3A_537 = arith.constant 19 : index
    %get3A_538 = arith.constant 0 : index
    %get3A_539 = vector.load %arg2[%get3A_536, %get3A_537, %get3A_538] : memref<4x20x4096xi32, #tpu.memory_space<vmem>>, vector<1x1x4096xi32>
    %get3A_540 = vector.shape_cast %get3A_539 : vector<1x1x4096xi32> to vector<4096xi32>
    %shift_left3A_541 = arith.constant 1 : i32
    %shift_left3A_542 = vector.broadcast %shift_left3A_541 : i32 to vector<4096xi32>
    %shift_left3A_543 = arith.shli %get3A_450, %shift_left3A_542 : vector<4096xi32>
    %shift_left3A_544 = arith.constant 2 : i32
    %shift_left3A_545 = vector.broadcast %shift_left3A_544 : i32 to vector<4096xi32>
    %shift_left3A_546 = arith.shli %get3A_455, %shift_left3A_545 : vector<4096xi32>
    %shift_left3A_547 = arith.constant 3 : i32
    %shift_left3A_548 = vector.broadcast %shift_left3A_547 : i32 to vector<4096xi32>
    %shift_left3A_549 = arith.shli %get3A_460, %shift_left3A_548 : vector<4096xi32>
    %shift_left3A_550 = arith.constant 4 : i32
    %shift_left3A_551 = vector.broadcast %shift_left3A_550 : i32 to vector<4096xi32>
    %shift_left3A_552 = arith.shli %get3A_465, %shift_left3A_551 : vector<4096xi32>
    %shift_left3A_553 = arith.constant 5 : i32
    %shift_left3A_554 = vector.broadcast %shift_left3A_553 : i32 to vector<4096xi32>
    %shift_left3A_555 = arith.shli %get3A_470, %shift_left3A_554 : vector<4096xi32>
    %shift_left3A_556 = arith.constant 6 : i32
    %shift_left3A_557 = vector.broadcast %shift_left3A_556 : i32 to vector<4096xi32>
    %shift_left3A_558 = arith.shli %get3A_475, %shift_left3A_557 : vector<4096xi32>
    %shift_left3A_559 = arith.constant 7 : i32
    %shift_left3A_560 = vector.broadcast %shift_left3A_559 : i32 to vector<4096xi32>
    %shift_left3A_561 = arith.shli %get3A_480, %shift_left3A_560 : vector<4096xi32>
    %shift_left3A_562 = arith.constant 8 : i32
    %shift_left3A_563 = vector.broadcast %shift_left3A_562 : i32 to vector<4096xi32>
    %shift_left3A_564 = arith.shli %get3A_485, %shift_left3A_563 : vector<4096xi32>
    %shift_left3A_565 = arith.constant 9 : i32
    %shift_left3A_566 = vector.broadcast %shift_left3A_565 : i32 to vector<4096xi32>
    %shift_left3A_567 = arith.shli %get3A_490, %shift_left3A_566 : vector<4096xi32>
    %shift_left3A_568 = arith.constant 10 : i32
    %shift_left3A_569 = vector.broadcast %shift_left3A_568 : i32 to vector<4096xi32>
    %shift_left3A_570 = arith.shli %get3A_495, %shift_left3A_569 : vector<4096xi32>
    %shift_left3A_571 = arith.constant 11 : i32
    %shift_left3A_572 = vector.broadcast %shift_left3A_571 : i32 to vector<4096xi32>
    %shift_left3A_573 = arith.shli %get3A_500, %shift_left3A_572 : vector<4096xi32>
    %shift_left3A_574 = arith.constant 12 : i32
    %shift_left3A_575 = vector.broadcast %shift_left3A_574 : i32 to vector<4096xi32>
    %shift_left3A_576 = arith.shli %get3A_505, %shift_left3A_575 : vector<4096xi32>
    %shift_left3A_577 = arith.constant 13 : i32
    %shift_left3A_578 = vector.broadcast %shift_left3A_577 : i32 to vector<4096xi32>
    %shift_left3A_579 = arith.shli %get3A_510, %shift_left3A_578 : vector<4096xi32>
    %shift_left3A_580 = arith.constant 14 : i32
    %shift_left3A_581 = vector.broadcast %shift_left3A_580 : i32 to vector<4096xi32>
    %shift_left3A_582 = arith.shli %get3A_515, %shift_left3A_581 : vector<4096xi32>
    %shift_left3A_583 = arith.constant 15 : i32
    %shift_left3A_584 = vector.broadcast %shift_left3A_583 : i32 to vector<4096xi32>
    %shift_left3A_585 = arith.shli %get3A_520, %shift_left3A_584 : vector<4096xi32>
    %shift_left3A_586 = arith.constant 16 : i32
    %shift_left3A_587 = vector.broadcast %shift_left3A_586 : i32 to vector<4096xi32>
    %shift_left3A_588 = arith.shli %get3A_525, %shift_left3A_587 : vector<4096xi32>
    %shift_left3A_589 = arith.constant 17 : i32
    %shift_left3A_590 = vector.broadcast %shift_left3A_589 : i32 to vector<4096xi32>
    %shift_left3A_591 = arith.shli %get3A_530, %shift_left3A_590 : vector<4096xi32>
    %shift_left3A_592 = arith.constant 18 : i32
    %shift_left3A_593 = vector.broadcast %shift_left3A_592 : i32 to vector<4096xi32>
    %shift_left3A_594 = arith.shli %get3A_535, %shift_left3A_593 : vector<4096xi32>
    %shift_left3A_595 = arith.constant 19 : i32
    %shift_left3A_596 = vector.broadcast %shift_left3A_595 : i32 to vector<4096xi32>
    %shift_left3A_597 = arith.shli %get3A_540, %shift_left3A_596 : vector<4096xi32>
    %or3A_598 = arith.ori %get3A_445, %shift_left3A_543 : vector<4096xi32>
    %or3A_599 = arith.ori %shift_left3A_546, %shift_left3A_549 : vector<4096xi32>
    %or3A_600 = arith.ori %shift_left3A_552, %shift_left3A_555 : vector<4096xi32>
    %or3A_601 = arith.ori %shift_left3A_558, %shift_left3A_561 : vector<4096xi32>
    %or3A_602 = arith.ori %shift_left3A_564, %shift_left3A_567 : vector<4096xi32>
    %or3A_603 = arith.ori %shift_left3A_570, %shift_left3A_573 : vector<4096xi32>
    %or3A_604 = arith.ori %shift_left3A_576, %shift_left3A_579 : vector<4096xi32>
    %or3A_605 = arith.ori %shift_left3A_582, %shift_left3A_585 : vector<4096xi32>
    %or3A_606 = arith.ori %shift_left3A_588, %shift_left3A_591 : vector<4096xi32>
    %or3A_607 = arith.ori %shift_left3A_594, %shift_left3A_597 : vector<4096xi32>
    %or3A_608 = arith.ori %or3A_598, %or3A_599 : vector<4096xi32>
    %or3A_609 = arith.ori %or3A_600, %or3A_601 : vector<4096xi32>
    %or3A_610 = arith.ori %or3A_602, %or3A_603 : vector<4096xi32>
    %or3A_611 = arith.ori %or3A_604, %or3A_605 : vector<4096xi32>
    %or3A_612 = arith.ori %or3A_606, %or3A_607 : vector<4096xi32>
    %or3A_613 = arith.ori %or3A_608, %or3A_609 : vector<4096xi32>
    %or3A_614 = arith.ori %or3A_610, %or3A_611 : vector<4096xi32>
    %or3A_615 = arith.ori %or3A_613, %or3A_614 : vector<4096xi32>
    %or3A_616 = arith.ori %or3A_615, %or3A_612 : vector<4096xi32>
    %swap3A_617 = arith.constant 8192 : index
    %swap3A_618 = vector.load %arg3[%swap3A_617] : memref<16384xi32, #tpu.memory_space<vmem>>, vector<4096xi32>
    tpu.vector_store %arg3[%swap3A_617], %or3A_616 {strides = array<i32>} : memref<16384xi32, #tpu.memory_space<vmem>>, vector<4096xi32>,
    %dma_start3A_619 = arith.constant 2 : i32
    %dma_start3A_620 = tpu.memref_slice %arg5[%dma_start3A_619] : memref<4x!tpu.dma_semaphore, #tpu.memory_space<semaphore_mem>> -> memref<1x!tpu.dma_semaphore, #tpu.memory_space<semaphore_mem>>
    %dma_start3A_621 = tpu.memref_squeeze %dma_start3A_620 : memref<1x!tpu.dma_semaphore, #tpu.memory_space<semaphore_mem>> -> memref<!tpu.dma_semaphore, #tpu.memory_space<semaphore_mem>>
    %dma_start3A_622 = arith.constant 8192 : i32
    %dma_start3A_623 = tpu.memref_slice %arg1[%dma_start3A_622] : memref<16384xi32, #tpu.memory_space<any>> -> memref<4096xi32, #tpu.memory_space<any>>
    %dma_start3A_624 = arith.constant 8192 : i32
    %dma_start3A_625 = tpu.memref_slice %arg3[%dma_start3A_624] : memref<16384xi32, #tpu.memory_space<vmem>> -> memref<4096xi32, #tpu.memory_space<vmem>>
    tpu.enqueue_dma source(%dma_start3A_625 : memref<4096xi32, #tpu.memory_space<vmem>>) target(%dma_start3A_623 : memref<4096xi32, #tpu.memory_space<any>>) target_semaphore(%dma_start3A_621 : memref<!tpu.dma_semaphore, #tpu.memory_space<semaphore_mem>>)
    %dma_wait3A_626 = arith.constant 3 : i32
    %dma_wait3A_627 = arith.constant 3 : i32
    %dma_wait3A_628 = tpu.memref_slice %arg4[%dma_wait3A_627] : memref<4x!tpu.dma_semaphore, #tpu.memory_space<semaphore_mem>> -> memref<1x!tpu.dma_semaphore, #tpu.memory_space<semaphore_mem>>
    %dma_wait3A_629 = tpu.memref_squeeze %dma_wait3A_628 : memref<1x!tpu.dma_semaphore, #tpu.memory_space<semaphore_mem>> -> memref<!tpu.dma_semaphore, #tpu.memory_space<semaphore_mem>>
    %dma_wait3A_630 = arith.constant 0 : i32
    %dma_wait3A_631 = arith.constant 0 : i32
    %dma_wait3A_632 = tpu.memref_slice %arg2[%dma_wait3A_626, %dma_wait3A_630, %dma_wait3A_631] : memref<4x20x4096xi32, #tpu.memory_space<vmem>> -> memref<1x20x4096xi32, #tpu.memory_space<vmem>>
    %dma_wait3A_633 = tpu.memref_squeeze %dma_wait3A_632 : memref<1x20x4096xi32, #tpu.memory_space<vmem>> -> memref<20x4096xi32, #tpu.memory_space<vmem>>
    %dma_wait3A_634 = arith.constant 0 : i32
    %dma_wait3A_635 = arith.constant 12288 : i32
    %dma_wait3A_636 = tpu.memref_slice %arg0[%dma_wait3A_634, %dma_wait3A_635] : memref<20x16384xi32, #tpu.memory_space<any>> -> memref<20x4096xi32, #tpu.memory_space<any>>
    tpu.wait_dma2 semaphore(%dma_wait3A_629 : memref<!tpu.dma_semaphore, #tpu.memory_space<semaphore_mem>>) src(%dma_wait3A_636 : memref<20x4096xi32, #tpu.memory_space<any>>) dst(%dma_wait3A_633 : memref<20x4096xi32, #tpu.memory_space<vmem>>)
    %get3A_637 = arith.constant 3 : index
    %get3A_638 = arith.constant 0 : index
    %get3A_639 = arith.constant 0 : index
    %get3A_640 = vector.load %arg2[%get3A_637, %get3A_638, %get3A_639] : memref<4x20x4096xi32, #tpu.memory_space<vmem>>, vector<1x1x4096xi32>
    %get3A_641 = vector.shape_cast %get3A_640 : vector<1x1x4096xi32> to vector<4096xi32>
    %get3A_642 = arith.constant 3 : index
    %get3A_643 = arith.constant 1 : index
    %get3A_644 = arith.constant 0 : index
    %get3A_645 = vector.load %arg2[%get3A_642, %get3A_643, %get3A_644] : memref<4x20x4096xi32, #tpu.memory_space<vmem>>, vector<1x1x4096xi32>
    %get3A_646 = vector.shape_cast %get3A_645 : vector<1x1x4096xi32> to vector<4096xi32>
    %get3A_647 = arith.constant 3 : index
    %get3A_648 = arith.constant 2 : index
    %get3A_649 = arith.constant 0 : index
    %get3A_650 = vector.load %arg2[%get3A_647, %get3A_648, %get3A_649] : memref<4x20x4096xi32, #tpu.memory_space<vmem>>, vector<1x1x4096xi32>
    %get3A_651 = vector.shape_cast %get3A_650 : vector<1x1x4096xi32> to vector<4096xi32>
    %get3A_652 = arith.constant 3 : index
    %get3A_653 = arith.constant 3 : index
    %get3A_654 = arith.constant 0 : index
    %get3A_655 = vector.load %arg2[%get3A_652, %get3A_653, %get3A_654] : memref<4x20x4096xi32, #tpu.memory_space<vmem>>, vector<1x1x4096xi32>
    %get3A_656 = vector.shape_cast %get3A_655 : vector<1x1x4096xi32> to vector<4096xi32>
    %get3A_657 = arith.constant 3 : index
    %get3A_658 = arith.constant 4 : index
    %get3A_659 = arith.constant 0 : index
    %get3A_660 = vector.load %arg2[%get3A_657, %get3A_658, %get3A_659] : memref<4x20x4096xi32, #tpu.memory_space<vmem>>, vector<1x1x4096xi32>
    %get3A_661 = vector.shape_cast %get3A_660 : vector<1x1x4096xi32> to vector<4096xi32>
    %get3A_662 = arith.constant 3 : index
    %get3A_663 = arith.constant 5 : index
    %get3A_664 = arith.constant 0 : index
    %get3A_665 = vector.load %arg2[%get3A_662, %get3A_663, %get3A_664] : memref<4x20x4096xi32, #tpu.memory_space<vmem>>, vector<1x1x4096xi32>
    %get3A_666 = vector.shape_cast %get3A_665 : vector<1x1x4096xi32> to vector<4096xi32>
    %get3A_667 = arith.constant 3 : index
    %get3A_668 = arith.constant 6 : index
    %get3A_669 = arith.constant 0 : index
    %get3A_670 = vector.load %arg2[%get3A_667, %get3A_668, %get3A_669] : memref<4x20x4096xi32, #tpu.memory_space<vmem>>, vector<1x1x4096xi32>
    %get3A_671 = vector.shape_cast %get3A_670 : vector<1x1x4096xi32> to vector<4096xi32>
    %get3A_672 = arith.constant 3 : index
    %get3A_673 = arith.constant 7 : index
    %get3A_674 = arith.constant 0 : index
    %get3A_675 = vector.load %arg2[%get3A_672, %get3A_673, %get3A_674] : memref<4x20x4096xi32, #tpu.memory_space<vmem>>, vector<1x1x4096xi32>
    %get3A_676 = vector.shape_cast %get3A_675 : vector<1x1x4096xi32> to vector<4096xi32>
    %get3A_677 = arith.constant 3 : index
    %get3A_678 = arith.constant 8 : index
    %get3A_679 = arith.constant 0 : index
    %get3A_680 = vector.load %arg2[%get3A_677, %get3A_678, %get3A_679] : memref<4x20x4096xi32, #tpu.memory_space<vmem>>, vector<1x1x4096xi32>
    %get3A_681 = vector.shape_cast %get3A_680 : vector<1x1x4096xi32> to vector<4096xi32>
    %get3A_682 = arith.constant 3 : index
    %get3A_683 = arith.constant 9 : index
    %get3A_684 = arith.constant 0 : index
    %get3A_685 = vector.load %arg2[%get3A_682, %get3A_683, %get3A_684] : memref<4x20x4096xi32, #tpu.memory_space<vmem>>, vector<1x1x4096xi32>
    %get3A_686 = vector.shape_cast %get3A_685 : vector<1x1x4096xi32> to vector<4096xi32>
    %get3A_687 = arith.constant 3 : index
    %get3A_688 = arith.constant 10 : index
    %get3A_689 = arith.constant 0 : index
    %get3A_690 = vector.load %arg2[%get3A_687, %get3A_688, %get3A_689] : memref<4x20x4096xi32, #tpu.memory_space<vmem>>, vector<1x1x4096xi32>
    %get3A_691 = vector.shape_cast %get3A_690 : vector<1x1x4096xi32> to vector<4096xi32>
    %get3A_692 = arith.constant 3 : index
    %get3A_693 = arith.constant 11 : index
    %get3A_694 = arith.constant 0 : index
    %get3A_695 = vector.load %arg2[%get3A_692, %get3A_693, %get3A_694] : memref<4x20x4096xi32, #tpu.memory_space<vmem>>, vector<1x1x4096xi32>
    %get3A_696 = vector.shape_cast %get3A_695 : vector<1x1x4096xi32> to vector<4096xi32>
    %get3A_697 = arith.constant 3 : index
    %get3A_698 = arith.constant 12 : index
    %get3A_699 = arith.constant 0 : index
    %get3A_700 = vector.load %arg2[%get3A_697, %get3A_698, %get3A_699] : memref<4x20x4096xi32, #tpu.memory_space<vmem>>, vector<1x1x4096xi32>
    %get3A_701 = vector.shape_cast %get3A_700 : vector<1x1x4096xi32> to vector<4096xi32>
    %get3A_702 = arith.constant 3 : index
    %get3A_703 = arith.constant 13 : index
    %get3A_704 = arith.constant 0 : index
    %get3A_705 = vector.load %arg2[%get3A_702, %get3A_703, %get3A_704] : memref<4x20x4096xi32, #tpu.memory_space<vmem>>, vector<1x1x4096xi32>
    %get3A_706 = vector.shape_cast %get3A_705 : vector<1x1x4096xi32> to vector<4096xi32>
    %get3A_707 = arith.constant 3 : index
    %get3A_708 = arith.constant 14 : index
    %get3A_709 = arith.constant 0 : index
    %get3A_710 = vector.load %arg2[%get3A_707, %get3A_708, %get3A_709] : memref<4x20x4096xi32, #tpu.memory_space<vmem>>, vector<1x1x4096xi32>
    %get3A_711 = vector.shape_cast %get3A_710 : vector<1x1x4096xi32> to vector<4096xi32>
    %get3A_712 = arith.constant 3 : index
    %get3A_713 = arith.constant 15 : index
    %get3A_714 = arith.constant 0 : index
    %get3A_715 = vector.load %arg2[%get3A_712, %get3A_713, %get3A_714] : memref<4x20x4096xi32, #tpu.memory_space<vmem>>, vector<1x1x4096xi32>
    %get3A_716 = vector.shape_cast %get3A_715 : vector<1x1x4096xi32> to vector<4096xi32>
    %get3A_717 = arith.constant 3 : index
    %get3A_718 = arith.constant 16 : index
    %get3A_719 = arith.constant 0 : index
    %get3A_720 = vector.load %arg2[%get3A_717, %get3A_718, %get3A_719] : memref<4x20x4096xi32, #tpu.memory_space<vmem>>, vector<1x1x4096xi32>
    %get3A_721 = vector.shape_cast %get3A_720 : vector<1x1x4096xi32> to vector<4096xi32>
    %get3A_722 = arith.constant 3 : index
    %get3A_723 = arith.constant 17 : index
    %get3A_724 = arith.constant 0 : index
    %get3A_725 = vector.load %arg2[%get3A_722, %get3A_723, %get3A_724] : memref<4x20x4096xi32, #tpu.memory_space<vmem>>, vector<1x1x4096xi32>
    %get3A_726 = vector.shape_cast %get3A_725 : vector<1x1x4096xi32> to vector<4096xi32>
    %get3A_727 = arith.constant 3 : index
    %get3A_728 = arith.constant 18 : index
    %get3A_729 = arith.constant 0 : index
    %get3A_730 = vector.load %arg2[%get3A_727, %get3A_728, %get3A_729] : memref<4x20x4096xi32, #tpu.memory_space<vmem>>, vector<1x1x4096xi32>
    %get3A_731 = vector.shape_cast %get3A_730 : vector<1x1x4096xi32> to vector<4096xi32>
    %get3A_732 = arith.constant 3 : index
    %get3A_733 = arith.constant 19 : index
    %get3A_734 = arith.constant 0 : index
    %get3A_735 = vector.load %arg2[%get3A_732, %get3A_733, %get3A_734] : memref<4x20x4096xi32, #tpu.memory_space<vmem>>, vector<1x1x4096xi32>
    %get3A_736 = vector.shape_cast %get3A_735 : vector<1x1x4096xi32> to vector<4096xi32>
    %shift_left3A_737 = arith.constant 1 : i32
    %shift_left3A_738 = vector.broadcast %shift_left3A_737 : i32 to vector<4096xi32>
    %shift_left3A_739 = arith.shli %get3A_646, %shift_left3A_738 : vector<4096xi32>
    %shift_left3A_740 = arith.constant 2 : i32
    %shift_left3A_741 = vector.broadcast %shift_left3A_740 : i32 to vector<4096xi32>
    %shift_left3A_742 = arith.shli %get3A_651, %shift_left3A_741 : vector<4096xi32>
    %shift_left3A_743 = arith.constant 3 : i32
    %shift_left3A_744 = vector.broadcast %shift_left3A_743 : i32 to vector<4096xi32>
    %shift_left3A_745 = arith.shli %get3A_656, %shift_left3A_744 : vector<4096xi32>
    %shift_left3A_746 = arith.constant 4 : i32
    %shift_left3A_747 = vector.broadcast %shift_left3A_746 : i32 to vector<4096xi32>
    %shift_left3A_748 = arith.shli %get3A_661, %shift_left3A_747 : vector<4096xi32>
    %shift_left3A_749 = arith.constant 5 : i32
    %shift_left3A_750 = vector.broadcast %shift_left3A_749 : i32 to vector<4096xi32>
    %shift_left3A_751 = arith.shli %get3A_666, %shift_left3A_750 : vector<4096xi32>
    %shift_left3A_752 = arith.constant 6 : i32
    %shift_left3A_753 = vector.broadcast %shift_left3A_752 : i32 to vector<4096xi32>
    %shift_left3A_754 = arith.shli %get3A_671, %shift_left3A_753 : vector<4096xi32>
    %shift_left3A_755 = arith.constant 7 : i32
    %shift_left3A_756 = vector.broadcast %shift_left3A_755 : i32 to vector<4096xi32>
    %shift_left3A_757 = arith.shli %get3A_676, %shift_left3A_756 : vector<4096xi32>
    %shift_left3A_758 = arith.constant 8 : i32
    %shift_left3A_759 = vector.broadcast %shift_left3A_758 : i32 to vector<4096xi32>
    %shift_left3A_760 = arith.shli %get3A_681, %shift_left3A_759 : vector<4096xi32>
    %shift_left3A_761 = arith.constant 9 : i32
    %shift_left3A_762 = vector.broadcast %shift_left3A_761 : i32 to vector<4096xi32>
    %shift_left3A_763 = arith.shli %get3A_686, %shift_left3A_762 : vector<4096xi32>
    %shift_left3A_764 = arith.constant 10 : i32
    %shift_left3A_765 = vector.broadcast %shift_left3A_764 : i32 to vector<4096xi32>
    %shift_left3A_766 = arith.shli %get3A_691, %shift_left3A_765 : vector<4096xi32>
    %shift_left3A_767 = arith.constant 11 : i32
    %shift_left3A_768 = vector.broadcast %shift_left3A_767 : i32 to vector<4096xi32>
    %shift_left3A_769 = arith.shli %get3A_696, %shift_left3A_768 : vector<4096xi32>
    %shift_left3A_770 = arith.constant 12 : i32
    %shift_left3A_771 = vector.broadcast %shift_left3A_770 : i32 to vector<4096xi32>
    %shift_left3A_772 = arith.shli %get3A_701, %shift_left3A_771 : vector<4096xi32>
    %shift_left3A_773 = arith.constant 13 : i32
    %shift_left3A_774 = vector.broadcast %shift_left3A_773 : i32 to vector<4096xi32>
    %shift_left3A_775 = arith.shli %get3A_706, %shift_left3A_774 : vector<4096xi32>
    %shift_left3A_776 = arith.constant 14 : i32
    %shift_left3A_777 = vector.broadcast %shift_left3A_776 : i32 to vector<4096xi32>
    %shift_left3A_778 = arith.shli %get3A_711, %shift_left3A_777 : vector<4096xi32>
    %shift_left3A_779 = arith.constant 15 : i32
    %shift_left3A_780 = vector.broadcast %shift_left3A_779 : i32 to vector<4096xi32>
    %shift_left3A_781 = arith.shli %get3A_716, %shift_left3A_780 : vector<4096xi32>
    %shift_left3A_782 = arith.constant 16 : i32
    %shift_left3A_783 = vector.broadcast %shift_left3A_782 : i32 to vector<4096xi32>
    %shift_left3A_784 = arith.shli %get3A_721, %shift_left3A_783 : vector<4096xi32>
    %shift_left3A_785 = arith.constant 17 : i32
    %shift_left3A_786 = vector.broadcast %shift_left3A_785 : i32 to vector<4096xi32>
    %shift_left3A_787 = arith.shli %get3A_726, %shift_left3A_786 : vector<4096xi32>
    %shift_left3A_788 = arith.constant 18 : i32
    %shift_left3A_789 = vector.broadcast %shift_left3A_788 : i32 to vector<4096xi32>
    %shift_left3A_790 = arith.shli %get3A_731, %shift_left3A_789 : vector<4096xi32>
    %shift_left3A_791 = arith.constant 19 : i32
    %shift_left3A_792 = vector.broadcast %shift_left3A_791 : i32 to vector<4096xi32>
    %shift_left3A_793 = arith.shli %get3A_736, %shift_left3A_792 : vector<4096xi32>
    %or3A_794 = arith.ori %get3A_641, %shift_left3A_739 : vector<4096xi32>
    %or3A_795 = arith.ori %shift_left3A_742, %shift_left3A_745 : vector<4096xi32>
    %or3A_796 = arith.ori %shift_left3A_748, %shift_left3A_751 : vector<4096xi32>
    %or3A_797 = arith.ori %shift_left3A_754, %shift_left3A_757 : vector<4096xi32>
    %or3A_798 = arith.ori %shift_left3A_760, %shift_left3A_763 : vector<4096xi32>
    %or3A_799 = arith.ori %shift_left3A_766, %shift_left3A_769 : vector<4096xi32>
    %or3A_800 = arith.ori %shift_left3A_772, %shift_left3A_775 : vector<4096xi32>
    %or3A_801 = arith.ori %shift_left3A_778, %shift_left3A_781 : vector<4096xi32>
    %or3A_802 = arith.ori %shift_left3A_784, %shift_left3A_787 : vector<4096xi32>
    %or3A_803 = arith.ori %shift_left3A_790, %shift_left3A_793 : vector<4096xi32>
    %or3A_804 = arith.ori %or3A_794, %or3A_795 : vector<4096xi32>
    %or3A_805 = arith.ori %or3A_796, %or3A_797 : vector<4096xi32>
    %or3A_806 = arith.ori %or3A_798, %or3A_799 : vector<4096xi32>
    %or3A_807 = arith.ori %or3A_800, %or3A_801 : vector<4096xi32>
    %or3A_808 = arith.ori %or3A_802, %or3A_803 : vector<4096xi32>
    %or3A_809 = arith.ori %or3A_804, %or3A_805 : vector<4096xi32>
    %or3A_810 = arith.ori %or3A_806, %or3A_807 : vector<4096xi32>
    %or3A_811 = arith.ori %or3A_809, %or3A_810 : vector<4096xi32>
    %or3A_812 = arith.ori %or3A_811, %or3A_808 : vector<4096xi32>
    %swap3A_813 = arith.constant 12288 : index
    %swap3A_814 = vector.load %arg3[%swap3A_813] : memref<16384xi32, #tpu.memory_space<vmem>>, vector<4096xi32>
    tpu.vector_store %arg3[%swap3A_813], %or3A_812 {strides = array<i32>} : memref<16384xi32, #tpu.memory_space<vmem>>, vector<4096xi32>,
    %dma_start3A_815 = arith.constant 3 : i32
    %dma_start3A_816 = tpu.memref_slice %arg5[%dma_start3A_815] : memref<4x!tpu.dma_semaphore, #tpu.memory_space<semaphore_mem>> -> memref<1x!tpu.dma_semaphore, #tpu.memory_space<semaphore_mem>>
    %dma_start3A_817 = tpu.memref_squeeze %dma_start3A_816 : memref<1x!tpu.dma_semaphore, #tpu.memory_space<semaphore_mem>> -> memref<!tpu.dma_semaphore, #tpu.memory_space<semaphore_mem>>
    %dma_start3A_818 = arith.constant 12288 : i32
    %dma_start3A_819 = tpu.memref_slice %arg1[%dma_start3A_818] : memref<16384xi32, #tpu.memory_space<any>> -> memref<4096xi32, #tpu.memory_space<any>>
    %dma_start3A_820 = arith.constant 12288 : i32
    %dma_start3A_821 = tpu.memref_slice %arg3[%dma_start3A_820] : memref<16384xi32, #tpu.memory_space<vmem>> -> memref<4096xi32, #tpu.memory_space<vmem>>
    tpu.enqueue_dma source(%dma_start3A_821 : memref<4096xi32, #tpu.memory_space<vmem>>) target(%dma_start3A_819 : memref<4096xi32, #tpu.memory_space<any>>) target_semaphore(%dma_start3A_817 : memref<!tpu.dma_semaphore, #tpu.memory_space<semaphore_mem>>)
    %dma_wait3A_822 = arith.constant 0 : i32
    %dma_wait3A_823 = tpu.memref_slice %arg5[%dma_wait3A_822] : memref<4x!tpu.dma_semaphore, #tpu.memory_space<semaphore_mem>> -> memref<1x!tpu.dma_semaphore, #tpu.memory_space<semaphore_mem>>
    %dma_wait3A_824 = tpu.memref_squeeze %dma_wait3A_823 : memref<1x!tpu.dma_semaphore, #tpu.memory_space<semaphore_mem>> -> memref<!tpu.dma_semaphore, #tpu.memory_space<semaphore_mem>>
    %dma_wait3A_825 = arith.constant 0 : i32
    %dma_wait3A_826 = tpu.memref_slice %arg1[%dma_wait3A_825] : memref<16384xi32, #tpu.memory_space<any>> -> memref<4096xi32, #tpu.memory_space<any>>
    %dma_wait3A_827 = arith.constant 0 : i32
    %dma_wait3A_828 = tpu.memref_slice %arg3[%dma_wait3A_827] : memref<16384xi32, #tpu.memory_space<vmem>> -> memref<4096xi32, #tpu.memory_space<vmem>>
    tpu.wait_dma2 semaphore(%dma_wait3A_824 : memref<!tpu.dma_semaphore, #tpu.memory_space<semaphore_mem>>) src(%dma_wait3A_828 : memref<4096xi32, #tpu.memory_space<vmem>>) dst(%dma_wait3A_826 : memref<4096xi32, #tpu.memory_space<any>>)
    %dma_wait3A_829 = arith.constant 1 : i32
    %dma_wait3A_830 = tpu.memref_slice %arg5[%dma_wait3A_829] : memref<4x!tpu.dma_semaphore, #tpu.memory_space<semaphore_mem>> -> memref<1x!tpu.dma_semaphore, #tpu.memory_space<semaphore_mem>>
    %dma_wait3A_831 = tpu.memref_squeeze %dma_wait3A_830 : memref<1x!tpu.dma_semaphore, #tpu.memory_space<semaphore_mem>> -> memref<!tpu.dma_semaphore, #tpu.memory_space<semaphore_mem>>
    %dma_wait3A_832 = arith.constant 4096 : i32
    %dma_wait3A_833 = tpu.memref_slice %arg1[%dma_wait3A_832] : memref<16384xi32, #tpu.memory_space<any>> -> memref<4096xi32, #tpu.memory_space<any>>
    %dma_wait3A_834 = arith.constant 4096 : i32
    %dma_wait3A_835 = tpu.memref_slice %arg3[%dma_wait3A_834] : memref<16384xi32, #tpu.memory_space<vmem>> -> memref<4096xi32, #tpu.memory_space<vmem>>
    tpu.wait_dma2 semaphore(%dma_wait3A_831 : memref<!tpu.dma_semaphore, #tpu.memory_space<semaphore_mem>>) src(%dma_wait3A_835 : memref<4096xi32, #tpu.memory_space<vmem>>) dst(%dma_wait3A_833 : memref<4096xi32, #tpu.memory_space<any>>)
    %dma_wait3A_836 = arith.constant 2 : i32
    %dma_wait3A_837 = tpu.memref_slice %arg5[%dma_wait3A_836] : memref<4x!tpu.dma_semaphore, #tpu.memory_space<semaphore_mem>> -> memref<1x!tpu.dma_semaphore, #tpu.memory_space<semaphore_mem>>
    %dma_wait3A_838 = tpu.memref_squeeze %dma_wait3A_837 : memref<1x!tpu.dma_semaphore, #tpu.memory_space<semaphore_mem>> -> memref<!tpu.dma_semaphore, #tpu.memory_space<semaphore_mem>>
    %dma_wait3A_839 = arith.constant 8192 : i32
    %dma_wait3A_840 = tpu.memref_slice %arg1[%dma_wait3A_839] : memref<16384xi32, #tpu.memory_space<any>> -> memref<4096xi32, #tpu.memory_space<any>>
    %dma_wait3A_841 = arith.constant 8192 : i32
    %dma_wait3A_842 = tpu.memref_slice %arg3[%dma_wait3A_841] : memref<16384xi32, #tpu.memory_space<vmem>> -> memref<4096xi32, #tpu.memory_space<vmem>>
    tpu.wait_dma2 semaphore(%dma_wait3A_838 : memref<!tpu.dma_semaphore, #tpu.memory_space<semaphore_mem>>) src(%dma_wait3A_842 : memref<4096xi32, #tpu.memory_space<vmem>>) dst(%dma_wait3A_840 : memref<4096xi32, #tpu.memory_space<any>>)
    %dma_wait3A_843 = arith.constant 3 : i32
    %dma_wait3A_844 = tpu.memref_slice %arg5[%dma_wait3A_843] : memref<4x!tpu.dma_semaphore, #tpu.memory_space<semaphore_mem>> -> memref<1x!tpu.dma_semaphore, #tpu.memory_space<semaphore_mem>>
    %dma_wait3A_845 = tpu.memref_squeeze %dma_wait3A_844 : memref<1x!tpu.dma_semaphore, #tpu.memory_space<semaphore_mem>> -> memref<!tpu.dma_semaphore, #tpu.memory_space<semaphore_mem>>
    %dma_wait3A_846 = arith.constant 12288 : i32
    %dma_wait3A_847 = tpu.memref_slice %arg1[%dma_wait3A_846] : memref<16384xi32, #tpu.memory_space<any>> -> memref<4096xi32, #tpu.memory_space<any>>
    %dma_wait3A_848 = arith.constant 12288 : i32
    %dma_wait3A_849 = tpu.memref_slice %arg3[%dma_wait3A_848] : memref<16384xi32, #tpu.memory_space<vmem>> -> memref<4096xi32, #tpu.memory_space<vmem>>
    tpu.wait_dma2 semaphore(%dma_wait3A_845 : memref<!tpu.dma_semaphore, #tpu.memory_space<semaphore_mem>>) src(%dma_wait3A_849 : memref<4096xi32, #tpu.memory_space<vmem>>) dst(%dma_wait3A_847 : memref<4096xi32, #tpu.memory_space<any>>)
    return
  }
}

</mosaic_0001>

<sc_bundles>
// kernel: kernel.4.cloned.1.call-start
scs
__scs_entry_jumppad:
0x0: {  	(pc) =	sbr.rel $0x88, $3  }
0x1: {  	(tag) =	ssettag $0x0;
	lr =	simm.s32 $0x1  }
0x2: {  	[smem:$0x3F9F] =	sst lr;
	_ =	strace $0xD0000000  }
0x3: {  	_ = 	snop  }
0x4: {  	_ = 	snop  }
0x5: {  	_ = 	snop  }
0x6: {  	_ = 	snop  }
0x7: {  	_ = 	snop  }
__scs_overlays_trampoline_lowered:
0x8: {  	[smem:$0x3FAE] =	sst s0  }
0x9: {  	[smem:$0x3FAF] =	sst s1  }
0xa: {  	[smem:$0x3FB0] =	sst s2  }
0xb: {  	[smem:$0x3FB1] =	sst s3  }
0xc: {  	[smem:$0x3FB2] =	sst s4  }
0xd: {  	[smem:$0x3FB3] =	sst s5  }
0xe: {  	[smem:$0x3FB4] =	sst s6  }
0xf: {  	[smem:$0x3FB5] =	sst s7  }
0x10: {  	[smem:$0x3FB6] =	sst s8  }
0x11: {  	[smem:$0x3FB7] =	sst s9;
	s0 =	simm.s32 @!p0 $0x0  }
0x12: {  	s1 =	sld [smem:$0x3F9D];
	s0 =	simm.s32 @p0 $0x1  }
0x13: {  	[smem:$0x3FB8] =	sst s0;
	s0 =	simm.s32 @!p1 $0x0  }
0x14: {  	s2 =	sld [smem:$0x3F9C];
	s0 =	simm.s32 @p1 $0x1  }
0x15: {  	[smem:$0x3FB9] =	sst s0;
	s0 =	simm.s32 @!p2 $0x0  }
0x16: {  	s3 =	sld [smem:$0x3FDB];
	s0 =	simm.s32 @p2 $0x1  }
0x17: {  	s4 =	simm.s32 $0x1BF5;
	[smem:$0x3FBB] =	sst s0  }
0x18: {  	s0 =	sld [smem:$0x3F9E];
	_ =	swait.ge [sflag:s4], $0x0  }
0x19: {  	s7 =	sld [smem:$0x3F9F]  }
0x1a: {  	s8 =	sadd.s32 $0xFFFFE003, lr  }
0x1b: {  	s9 =	sadd.s32 $0xFFFFFEF7, lr;
	s5 =	simm.s32 $0xFFFFFFFF;
	p2 =	slt.u32 s8, $0xFFFFF086  }
0x1c: {  	p1 =	slt.u32 s9, $0xF7A;
	s5 =	simm.s32 @!p2 $0x0  }
0x1d: {  	s5 =	simm.s32 @p1 $0x1;
	p0 =	seq.s32 s7, s2  }
0x1e: {  	s7 =	smul.u32 @!p0 $0xF7A, s2;
	p2 =	seq.s32 @!p0 s5, $0x0  }
0x1f: {  	s9 =	smul.u32 $0xF7A, s1;
	s8 =	simm.s32 @!p0 $0x1BF5;
	p2 =	por !p2, p0  }
0x20: {  	[sflag:s8] =	ssyncset.s32 @!p0 $0xFFFFF086;
	s6 =	sadd.s32 @!p0 s3, s7;
	s7 =	simm.s32 @!p0 $0x108  }
0x21: {  	s3 =	sadd.s32 s3, s9;
	s6 =	sadd.s32 @!p0 $0x88, s6;
	s7 =	simm.s32 @p2 $0x1082  }
0x22: {  	[simem:s7], [sflag:s8] =	dma.local @!p0 [hbm:s6], $0xF7A  }
0x23: {  	s9 =	sor.u32 $0xD0000000, s2;
	s6 =	simm.s32 $0x108;
	_ =	swait.ge @!p0 [sflag:s8], $0x0  }
0x24: {  	s3 =	sadd.s32 $0x88, s3;
	s6 =	simm.s32 @!p1 $0x1082;
	[sflag:s4] =	ssyncset.s32 $0xFFFFF086  }
0x25: {  	[simem:s6], [sflag:s4] =	dma.local [hbm:s3], $0xF7A  }
0x26: {  	[smem:$0x3F9F] =	sst s1;
	(tag) =	ssettag s2;
	_ =	strace s9  }
0x27: {  	s1 =	sld [smem:$0x3FAF]  }
0x28: {  	s2 =	sld [smem:$0x3FB0]  }
0x29: {  	s4 =	sld [smem:$0x3FB2]  }
0x2a: {  	p0 =	seq.s32 s5, $0x0;
	s5 =	sld [smem:$0x3FB3]  }
0x2b: {  	s6 =	sld [smem:$0x3FB4]  }
0x2c: {  	s7 =	sld [smem:$0x3FB5]  }
0x2d: {  	s3 =	simm.s32 $0x108;
	s8 =	sld [smem:$0x3FB6]  }
0x2e: {  	s3 =	simm.s32 @!p0 $0x1082;
	s9 =	sld [smem:$0x3FB7]  }
0x2f: {  	lr =	sadd.s32 s0, s3;
	s0 =	sld [smem:$0x3FAE]  }
0x30: {  	s3 =	sld [smem:$0x3FB1]  }
0x31: {  	[smem:$0x3FBA] =	sst s10  }
0x32: {  	s10 =	sld [smem:$0x3FB8];
	_ =	sdelay $0x3  }
0x33: {  	p0 =	seq.s32 s10, $0x1;
	s10 =	sld [smem:$0x3FBA];
	_ =	sdelay $0x3  }
0x34: {  	[smem:$0x3FBA] =	sst s10  }
0x35: {  	s10 =	sld [smem:$0x3FB9];
	_ =	sdelay $0x3  }
0x36: {  	p1 =	seq.s32 s10, $0x1;
	s10 =	sld [smem:$0x3FBA];
	_ =	sdelay $0x3  }
0x37: {  	[smem:$0x3FBA] =	sst s10  }
0x38: {  	s10 =	sld [smem:$0x3FBB]  }
0x39: {  	_ = 	snop;
	(pc) =	sbr.ind lr, $3  }
0x3a: {  	_ = 	snop  }
0x3b: {  	_ = 	snop  }
0x3c: {  	p2 =	seq.s32 s10, $0x1;
	s10 =	sld [smem:$0x3FBA]  }
0x3d: {  	_ =	shalt  }
0x3e: {  	_ =	shalt  }
0x3f: {  	_ =	shalt  }
0x40: {  	_ =	shalt  }
0x41: {  	_ =	shalt  }
0x42: {  	_ =	shalt  }
0x43: {  	_ =	shalt  }
0x44: {  	_ =	shalt  }
0x45: {  	_ =	shalt  }
0x46: {  	_ =	shalt  }
0x47: {  	_ =	shalt  }
0x48: {  	_ =	shalt  }
0x49: {  	_ =	shalt  }
0x4a: {  	_ =	shalt  }
0x4b: {  	_ =	shalt  }
0x4c: {  	_ =	shalt  }
0x4d: {  	_ =	shalt  }
0x4e: {  	_ =	shalt  }
0x4f: {  	_ =	shalt  }
0x50: {  	_ =	shalt  }
0x51: {  	_ =	shalt  }
0x52: {  	_ =	shalt  }
0x53: {  	_ =	shalt  }
0x54: {  	_ =	shalt  }
0x55: {  	_ =	shalt  }
0x56: {  	_ =	shalt  }
0x57: {  	_ =	shalt  }
0x58: {  	_ =	shalt  }
0x59: {  	_ =	shalt  }
0x5a: {  	_ =	shalt  }
0x5b: {  	_ =	shalt  }
0x5c: {  	_ =	shalt  }
0x5d: {  	_ =	shalt  }
0x5e: {  	_ =	shalt  }
0x5f: {  	_ =	shalt  }
0x60: {  	_ =	shalt  }
0x61: {  	_ =	shalt  }
0x62: {  	_ =	shalt  }
0x63: {  	_ =	shalt  }
0x64: {  	_ =	shalt  }
0x65: {  	_ =	shalt  }
0x66: {  	_ =	shalt  }
0x67: {  	_ =	shalt  }
0x68: {  	_ =	shalt  }
0x69: {  	_ =	shalt  }
0x6a: {  	_ =	shalt  }
0x6b: {  	_ =	shalt  }
0x6c: {  	_ =	shalt  }
0x6d: {  	_ =	shalt  }
0x6e: {  	_ =	shalt  }
0x6f: {  	_ =	shalt  }
0x70: {  	_ =	shalt  }
0x71: {  	_ =	shalt  }
0x72: {  	_ =	shalt  }
0x73: {  	_ =	shalt  }
0x74: {  	_ =	shalt  }
0x75: {  	_ =	shalt  }
0x76: {  	_ =	shalt  }
0x77: {  	_ =	shalt  }
0x78: {  	_ =	shalt  }
0x79: {  	_ =	shalt  }
0x7a: {  	_ =	shalt  }
0x7b: {  	_ =	shalt  }
0x7c: {  	_ =	shalt  }
0x7d: {  	_ =	shalt  }
0x7e: {  	_ =	shalt  }
0x7f: {  	_ =	shalt  }
0x80: {  	_ =	shalt  }
0x81: {  	_ =	shalt  }
0x82: {  	_ =	shalt  }
0x83: {  	_ =	shalt  }
0x84: {  	_ =	shalt  }
0x85: {  	_ =	shalt  }
0x86: {  	_ =	shalt  }
0x87: {  	_ =	shalt  }
.Lfunc_end0:
.L_simem_size_0:
called_computation_lowered:
.L_overlay_start_0:
0x88: {  	s2 =	sld [smem:$0x3FD9]  }
0x89: {  	s3 =	sld [smem:$0x3FFE];
	_ =	sdelay $0x1  }
0x8a: {  	s1 =	srdreg.scid  }
0x8b: {  	s0 =	sand.u32 $0x1, s1  }
0x8c: {  	s17 =	sshll.u32 s0, $0xA;
	s2 =	sadd.s32 s3, s2  }
0x8d: {  	s2 =	sadd.s32 s2, s17  }
0x8e: {  	[smem:$0x3FC6] =	sst s2  }
0x8f: {  	_ = 	snop  }
0x90: {  	s2 =	sld [smem:$0x3FC8]  }
0x91: {  	s18 =	sld [smem:$0x3FD0];
	(tm) =	ssettm $0x1  }
0x92: {  	s4 =	sld [smem:$0x3FFB];
	_ =	sdelay $0x3  }
0x93: {  	_ =	strace s4  }
0x94: {  	s4 =	sld [smem:$0x3FFC];
	_ =	sdelay $0x3  }
0x95: {  	_ =	strace s4  }
0x96: {  	s4 =	sld [smem:$0x3FFD];
	_ =	sdelay $0x3  }
0x97: {  	_ =	strace s4  }
0x98: {  	_ =	strace $0x8FFFFFFF  }
0x99: {  	s19 =	sld [smem:$0x3FDB];
	_ =	sdelay $0x1  }
0x9a: {  	s5 =	simm.s32 $_scs_section_size  }
0x9b: {  	s6 =	simm.s32 $_size__tile_overlayer_lowered;
	s7 =	simm.s32 $_tile_overlayer_lowered  }
0x9c: {  	s22 =	simm.s32 $0x1BFF;
	s21 =	sshll.u32 s7, $0x1;
	s4 =	sadd.s32 s5, s19  }
0x9d: {  	s8 =	simm.s32 $0x0;
	s20 =	sshll.u32 s6, $0x1;
	s6 =	sadd.s32 s21, s4  }
0x9e: {  	[timem:s8], [sflag:s22] =	dma.local [hbm:s6], s20  }
0x9f: {  	_ =	swait.ge [sflag:s22], s20  }
0xa0: {  	s5 =	ssub.s32 $0x0, s20;
	[sflag:s22] =	ssyncset.done $0x0  }
0xa1: {  	[sflag:s22] =	ssyncadd.s32 s5;
	_ =	sdelay $0x1  }
0xa2: {  	s23 =	simm.s32 $0x1B8B  }
0xa3: {  	_ =	swait.ge [sflag:s23], $0x1  }
0xa4: {  	[sflag:s23] =	ssyncset.done $0x0  }
0xa5: {  	s25 =	simm.s32 $0x1B8E;
	s24 =	sld [smem:$0x3FFE];
	[sflag:s23] =	ssyncadd.s32 $0xFFFFFFFF  }
0xa6: {  	s26 =	simm.s32 $execute0_lowered;
	[smem:$0x3FD2] =	sst s25  }
0xa7: {  	s6 =	sshll.u32 s26, $0x1;
	_ =	strace $0x80000046;
	[dreg:$0x1] =	wrdreg $0xFFFFFFFF  }
0xa8: {  	s28 =	simm.s32 $_size_execute0_lowered;
	s4 =	sadd.s32 s4, s6;
	[dreg:$0x0] =	wrdreg $0x0  }
0xa9: {  	s6 =	sshll.u32 s28, $0x1;
	[dreg:$0x2] =	wrdreg s4  }
0xaa: {  	[dreg:$0x3] =	wrdreg s6  }
0xab: {  	[dreg:$0x4] =	wrdreg $0xC0  }
0xac: {  	_ =	task [dreg:s8], $0x5FFFF  }
0xad: {  	[dreg:$0x1] =	wrdreg $0xFFFFFFFF  }
0xae: {  	[dreg:$0x0] =	wrdreg $0x60  }
0xaf: {  	[dreg:$0x2] =	wrdreg s24  }
0xb0: {  	[dreg:$0x3] =	wrdreg s2  }
0xb1: {  	[dreg:$0x4] =	wrdreg s18  }
0xb2: {  	[dreg:$0x5] =	wrdreg $0x9  }
0xb3: {  	_ =	task.clear_ibuf [dreg:s8], $0x6FFFF;
	_ =	strace $0x90000046  }
0xb4: {  	s29 =	simm.s32 $0x9;
	_ =	strace $0x80000048  }
0xb5: {  	_ =	swait.ge [sflag:s29], $0x1  }
0xb6: {  	[sflag:s29] =	ssyncadd.s32 $0xFFFFFFFF  }
0xb7: {  	_ =	strace $0x90000048  }
0xb8: {  	_ =	sfence  }
0xb9: {  	s30 =	sld [smem:$0x0];
	_ =	sdelay $0x2  }
0xba: {  	s31 =	sshll.u32 s1, $0xD;
	s1 =	sshrl.u32 s1, $0x2  }
0xbb: {  	s3 =	sand.u32 $0x4000, s31;
	s1 =	sadd.s32 s1, s30  }
0xbc: {  	s0 =	sor.u32 s3, s0;
	s1 =	sshll.u32 s1, $0x11  }
0xbd: {  	s0 =	sor.u32 s1, s0  }
0xbe: {  	s0 =	sadd.s32 $0x8F2B, s0  }
0xbf: {  	[sflag:s0] =	ssyncadd.remote.s32 $0x1  }
0xc0: {  	_ =	sfence.sel $0xFFFF  }
0xc1: {  	[dreg:$0x0] =	wrdreg $0xFFFFFFFF;
	(pc) =	sbr.abs _section_cstart, $3  }
0xc2: {  	[dreg:$0x1] =	wrdreg $0xFFFFFFFF  }
0xc3: {  	_ =	task.clear_ibuf [dreg:s8], $0x2FFFF;
	_ =	strace $0x9FFFFFFF  }
0xc4: {  	(tm) =	ssettm $0x7FFFFFFF  }
0xc5: {  	_ =	shalt  }
tec
execute0_lowered:
.L_overlay_start_1:
0x0: {  	(tag) =	ssettag $0x1  }
0x1: {  	s4 =	rddreg [dreg:$0x0]  }
0x2: {  	s1 =	rddreg [dreg:$0x1]  }
0x3: {  	s7 =	rddreg [dreg:$0x2]  }
0x4: {  	s0 =	rddreg [dreg:$0x3];
	s3 =	simm.s32 $0x0;
	s5 =	srdreg.scid  }
0x5: {  	s2 =	stileid.u32;
	s11 =	simm.s32 $0x200;
	s12 =	simm.s32 $0x2  }
0x6: {  	s13 =	simm.s32 $0x300;
	s14 =	simm.s32 $0x3;
	s15 =	simm.s32 $0x4  }
0x7: {  	s16 =	simm.s32 $0x5;
	s17 =	simm.s32 $0x6;
	s18 =	simm.s32 $0x0  }
0x8: {  	[smem:$0x7FF] =	sst s3;
	s5 =	sand.u32 $0x1, s5;
	s8 =	sshll.u32 s2, $0x7  }
0x9: {  	s31 =	sadd.s32 $0x800, s4;
	s6 =	ssub.s32 $0x2, s5;
	s5 =	sshll.u32 s5, $0x6  }
0xa: {  	_ =	strace $0x80000047;
	s9 =	sshrl.u32 s6, $0x1;
	s8 =	sor.u32 s5, s8  }
0xb: {  	s9 =	ssub.s32 s6, s9;
	s10 =	sor.u32 $0x20, s8;
	s4 =	sadd.s32 s31, s8  }
0xc: {  	s6 =	sadd.s32 s7, s8;
	s5 =	sadd.s32 s31, s10;
	s7 =	sadd.s32 s7, s10  }
0xd: {  	v0 =	vimm.s32 $0xFFFFFF81;
	s8 =	smax.u32 s9, $0x1;
	s9 =	simm.s32 $0x100;
	s10 =	simm.s32 $0x1  }
.LBB2_1:
0xe: {  	[tilespmem:s3], [sflag:$0x1] =	stream.linear.gather [hbm4b:s4+s3], $0x100, $0x38;
	[tilespmem:$0x400] =	vst v63  }
0xf: {  	_ = 	snop  }
0x10: {  	[tilespmem:s9], [sflag:$0x2] =	stream.linear.gather [hbm4b:s5+s3], $0x100, $0x38;
	[tilespmem:$0x400] =	vst v63  }
0x11: {  	_ =	swait.ge [sflag:s10], $0x100  }
0x12: {  	[sflag:s10] =	ssyncset.done $0x0  }
0x13: {  	[sflag:s10] =	ssyncadd.s32 $0xFFFFFF00  }
0x14: {  	[tilespmem:s11], [sflag:$0x3] =	stream.indirect.gather [hbm4b:s1+s9], $0x1, s3, s9, $0xb8;
	[tilespmem:$0x400] =	vst v63  }
0x15: {  	_ =	swait.ge [sflag:s12], $0x100  }
0x16: {  	[sflag:s12] =	ssyncset.done $0x0  }
0x17: {  	[sflag:s12] =	ssyncadd.s32 $0xFFFFFF00  }
0x18: {  	[tilespmem:s13], [sflag:$0x4] =	stream.indirect.gather [hbm4b:s1+s9], $0x1, s9, s9, $0xb8;
	[tilespmem:$0x400] =	vst v63  }
0x19: {  	_ =	swait.ge [sflag:s14], $0x100  }
0x1a: {  	[sflag:s14] =	ssyncset.done $0x0  }
0x1b: {  	s19 =	simm.s32 $0x0;
	s20 =	simm.s32 $0x40;
	[sflag:s14] =	ssyncadd.s32 $0xFFFFFF00  }
.LBB2_2:
0x1c: {  	p0 =	sne.s32 s20, $0x3C0;
	v1 =	vld [tilespmem:s19+$0x200];
	_ =	sdelay $0x4  }
0x1d: {  	v2 =	vand.u32 $0x7FFFFF, v1  }
0x1e: {  	v2 =	vor.u32 $0x3F800000, v2  }
0x1f: {  	v3 =	vmul.f32 $5.000000000e-01, v2  }
0x20: {  	vm0 =	vgt.f32 v2, $1.414213540e+00  }
0x21: {  	v2 =	vsel vm0, v3, v2  }
0x22: {  	v2 =	vadd.f32 $-1.000000000e+00, v2;
	_ =	sdelay $0x1  }
0x23: {  	v3 =	vmul.f32 $7.037683580e-02, v2;
	_ =	sdelay $0x1  }
0x24: {  	v3 =	vadd.f32 $-1.151461010e-01, v3;
	_ =	sdelay $0x1  }
0x25: {  	v3 =	vmul.f32 v3, v2;
	_ =	sdelay $0x1  }
0x26: {  	v3 =	vadd.f32 $1.167699840e-01, v3;
	_ =	sdelay $0x1  }
0x27: {  	v3 =	vmul.f32 v3, v2;
	_ =	sdelay $0x1  }
0x28: {  	v3 =	vadd.f32 $-1.242014100e-01, v3;
	_ =	sdelay $0x1  }
0x29: {  	v3 =	vmul.f32 v3, v2;
	_ =	sdelay $0x1  }
0x2a: {  	v3 =	vadd.f32 $1.424932330e-01, v3;
	_ =	sdelay $0x1  }
0x2b: {  	v3 =	vmul.f32 v3, v2;
	_ =	sdelay $0x1  }
0x2c: {  	v3 =	vadd.f32 $-1.666805740e-01, v3;
	_ =	sdelay $0x1  }
0x2d: {  	v3 =	vmul.f32 v3, v2;
	_ =	sdelay $0x1  }
0x2e: {  	v3 =	vadd.f32 $2.000071410e-01, v3;
	_ =	sdelay $0x1  }
0x2f: {  	v3 =	vmul.f32 v3, v2;
	_ =	sdelay $0x1  }
0x30: {  	v3 =	vadd.f32 $-2.499999400e-01, v3;
	_ =	sdelay $0x1  }
0x31: {  	v4 =	vmul.f32 v2, v2;
	v3 =	vmul.f32 v3, v2;
	_ =	sdelay $0x1  }
0x32: {  	v5 =	vmul.f32 v4, v2;
	v3 =	vadd.f32 $3.333333130e-01, v3  }
0x33: {  	v1 =	vshrl.u32 v1, $0x17  }
0x34: {  	v6 =	vsel vm0, $0xFFFFFF82, v0;
	v4 =	vmul.f32 $5.000000000e-01, v4;
	v3 =	vmul.f32 v3, v5  }
0x35: {  	v1 =	vadd.s32 v1, v6  }
0x36: {  	v1 =	vcvt.s32.f32 v1;
	v3 =	vsub.f32 v3, v4;
	_ =	sdelay $0x1  }
.Ltmp0:
0x37: {  	v1 =	vmul.f32 $6.931471820e-01, v1;
	v2 =	vadd.f32 v3, v2;
	(pc) =	sbr.rel @p0 .LBB2_2-.Ltmp0, $3  }
0x38: {  	_ = 	snop  }
0x39: {  	v1 =	vadd.f32 v2, v1;
	_ =	sdelay $0x1  }
0x3a: {  	[tilespmem:s19+$0x200] =	vst v1;
	s19 =	sshra.s32 s20, $0x2;
	s20 =	sadd.s32 $0x40, s20  }
0x3b: {  	v1 =	vld [tilespmem:s19+$0x200];
	_ =	sdelay $0x4  }
0x3c: {  	v2 =	vand.u32 $0x7FFFFF, v1  }
0x3d: {  	v2 =	vor.u32 $0x3F800000, v2  }
0x3e: {  	v3 =	vmul.f32 $5.000000000e-01, v2  }
0x3f: {  	vm0 =	vgt.f32 v2, $1.414213540e+00  }
0x40: {  	v2 =	vsel vm0, v3, v2  }
0x41: {  	v2 =	vadd.f32 $-1.000000000e+00, v2;
	_ =	sdelay $0x1  }
0x42: {  	v3 =	vmul.f32 $7.037683580e-02, v2;
	_ =	sdelay $0x1  }
0x43: {  	v3 =	vadd.f32 $-1.151461010e-01, v3;
	_ =	sdelay $0x1  }
0x44: {  	v3 =	vmul.f32 v3, v2;
	_ =	sdelay $0x1  }
0x45: {  	v3 =	vadd.f32 $1.167699840e-01, v3;
	_ =	sdelay $0x1  }
0x46: {  	v3 =	vmul.f32 v3, v2;
	_ =	sdelay $0x1  }
0x47: {  	v3 =	vadd.f32 $-1.242014100e-01, v3;
	_ =	sdelay $0x1  }
0x48: {  	v3 =	vmul.f32 v3, v2;
	_ =	sdelay $0x1  }
0x49: {  	v3 =	vadd.f32 $1.424932330e-01, v3;
	_ =	sdelay $0x1  }
0x4a: {  	v3 =	vmul.f32 v3, v2;
	_ =	sdelay $0x1  }
0x4b: {  	v3 =	vadd.f32 $-1.666805740e-01, v3;
	_ =	sdelay $0x1  }
0x4c: {  	v3 =	vmul.f32 v3, v2;
	_ =	sdelay $0x1  }
0x4d: {  	v3 =	vadd.f32 $2.000071410e-01, v3;
	_ =	sdelay $0x1  }
0x4e: {  	v3 =	vmul.f32 v3, v2;
	_ =	sdelay $0x1  }
0x4f: {  	v3 =	vadd.f32 $-2.499999400e-01, v3;
	_ =	sdelay $0x1  }
0x50: {  	v4 =	vmul.f32 v2, v2;
	v3 =	vmul.f32 v3, v2;
	_ =	sdelay $0x1  }
0x51: {  	v5 =	vmul.f32 v4, v2;
	v3 =	vadd.f32 $3.333333130e-01, v3  }
0x52: {  	v1 =	vshrl.u32 v1, $0x17  }
0x53: {  	v6 =	vsel vm0, $0xFFFFFF82, v0;
	v4 =	vmul.f32 $5.000000000e-01, v4;
	v3 =	vmul.f32 v3, v5  }
0x54: {  	v1 =	vadd.s32 v1, v6  }
0x55: {  	v1 =	vcvt.s32.f32 v1;
	v3 =	vsub.f32 v3, v4;
	_ =	sdelay $0x1  }
0x56: {  	v1 =	vmul.f32 $6.931471820e-01, v1;
	v2 =	vadd.f32 v3, v2;
	_ =	sdelay $0x1  }
0x57: {  	v1 =	vadd.f32 v2, v1;
	_ =	sdelay $0x1  }
0x58: {  	s31 =	simm.s32 $0x0;
	[tilespmem:s19+$0x200] =	vst v1  }
0x59: {  	[hbm4b:s6+s31] =	stream.linear.scatter [tilespmem:s11], [sflag:$0x5], $0x100, $0x38;
	[tilespmem:$0x400] =	vst v63  }
0x5a: {  	_ =	swait.ge [sflag:s15], $0x100  }
0x5b: {  	[sflag:s15] =	ssyncset.done $0x0  }
0x5c: {  	s20 =	simm.s32 $0x10;
	s19 =	sand.u32 $0xF0, s31;
	[sflag:s15] =	ssyncadd.s32 $0xFFFFFF00  }
.LBB2_4:
0x5d: {  	p0 =	sne.s32 s20, $0xF0;
	v1 =	vld [tilespmem:s19+$0x300];
	_ =	sdelay $0x4  }
0x5e: {  	v2 =	vand.u32 $0x7FFFFF, v1  }
0x5f: {  	v2 =	vor.u32 $0x3F800000, v2  }
0x60: {  	v3 =	vmul.f32 $5.000000000e-01, v2  }
0x61: {  	vm0 =	vgt.f32 v2, $1.414213540e+00  }
0x62: {  	v2 =	vsel vm0, v3, v2  }
0x63: {  	v2 =	vadd.f32 $-1.000000000e+00, v2;
	_ =	sdelay $0x1  }
0x64: {  	v3 =	vmul.f32 $7.037683580e-02, v2;
	_ =	sdelay $0x1  }
0x65: {  	v3 =	vadd.f32 $-1.151461010e-01, v3;
	_ =	sdelay $0x1  }
0x66: {  	v3 =	vmul.f32 v3, v2;
	_ =	sdelay $0x1  }
0x67: {  	v3 =	vadd.f32 $1.167699840e-01, v3;
	_ =	sdelay $0x1  }
0x68: {  	v3 =	vmul.f32 v3, v2;
	_ =	sdelay $0x1  }
0x69: {  	v3 =	vadd.f32 $-1.242014100e-01, v3;
	_ =	sdelay $0x1  }
0x6a: {  	v3 =	vmul.f32 v3, v2;
	_ =	sdelay $0x1  }
0x6b: {  	v3 =	vadd.f32 $1.424932330e-01, v3;
	_ =	sdelay $0x1  }
0x6c: {  	v3 =	vmul.f32 v3, v2;
	_ =	sdelay $0x1  }
0x6d: {  	v3 =	vadd.f32 $-1.666805740e-01, v3;
	_ =	sdelay $0x1  }
0x6e: {  	v3 =	vmul.f32 v3, v2;
	_ =	sdelay $0x1  }
0x6f: {  	v3 =	vadd.f32 $2.000071410e-01, v3;
	_ =	sdelay $0x1  }
0x70: {  	v3 =	vmul.f32 v3, v2;
	_ =	sdelay $0x1  }
0x71: {  	v3 =	vadd.f32 $-2.499999400e-01, v3;
	_ =	sdelay $0x1  }
0x72: {  	v4 =	vmul.f32 v2, v2;
	v3 =	vmul.f32 v3, v2;
	_ =	sdelay $0x1  }
0x73: {  	v5 =	vmul.f32 v4, v2;
	v3 =	vadd.f32 $3.333333130e-01, v3  }
0x74: {  	v1 =	vshrl.u32 v1, $0x17  }
0x75: {  	v6 =	vsel vm0, $0xFFFFFF82, v0;
	v4 =	vmul.f32 $5.000000000e-01, v4;
	v3 =	vmul.f32 v3, v5  }
0x76: {  	v1 =	vadd.s32 v1, v6  }
0x77: {  	v1 =	vcvt.s32.f32 v1;
	v3 =	vsub.f32 v3, v4;
	_ =	sdelay $0x1  }
.Ltmp1:
0x78: {  	v1 =	vmul.f32 $6.931471820e-01, v1;
	v2 =	vadd.f32 v3, v2;
	(pc) =	sbr.rel @p0 .LBB2_4-.Ltmp1, $3  }
0x79: {  	_ = 	snop  }
0x7a: {  	v1 =	vadd.f32 v2, v1;
	_ =	sdelay $0x1  }
0x7b: {  	[tilespmem:s19+$0x300] =	vst v1;
	s19 =	sand.u32 $0xF0, s20;
	s20 =	sadd.s32 $0x10, s20  }
0x7c: {  	v1 =	vld [tilespmem:s19+$0x300];
	_ =	sdelay $0x4  }
0x7d: {  	v2 =	vand.u32 $0x7FFFFF, v1  }
0x7e: {  	v2 =	vor.u32 $0x3F800000, v2  }
0x7f: {  	v3 =	vmul.f32 $5.000000000e-01, v2  }
0x80: {  	vm0 =	vgt.f32 v2, $1.414213540e+00  }
0x81: {  	v2 =	vsel vm0, v3, v2  }
0x82: {  	v2 =	vadd.f32 $-1.000000000e+00, v2;
	_ =	sdelay $0x1  }
0x83: {  	v3 =	vmul.f32 $7.037683580e-02, v2;
	_ =	sdelay $0x1  }
0x84: {  	v3 =	vadd.f32 $-1.151461010e-01, v3;
	_ =	sdelay $0x1  }
0x85: {  	v3 =	vmul.f32 v3, v2;
	_ =	sdelay $0x1  }
0x86: {  	v3 =	vadd.f32 $1.167699840e-01, v3;
	_ =	sdelay $0x1  }
0x87: {  	v3 =	vmul.f32 v3, v2;
	_ =	sdelay $0x1  }
0x88: {  	v3 =	vadd.f32 $-1.242014100e-01, v3;
	_ =	sdelay $0x1  }
0x89: {  	v3 =	vmul.f32 v3, v2;
	_ =	sdelay $0x1  }
0x8a: {  	v3 =	vadd.f32 $1.424932330e-01, v3;
	_ =	sdelay $0x1  }
0x8b: {  	v3 =	vmul.f32 v3, v2;
	_ =	sdelay $0x1  }
0x8c: {  	v3 =	vadd.f32 $-1.666805740e-01, v3;
	_ =	sdelay $0x1  }
0x8d: {  	v3 =	vmul.f32 v3, v2;
	_ =	sdelay $0x1  }
0x8e: {  	v3 =	vadd.f32 $2.000071410e-01, v3;
	_ =	sdelay $0x1  }
0x8f: {  	v3 =	vmul.f32 v3, v2;
	_ =	sdelay $0x1  }
0x90: {  	v3 =	vadd.f32 $-2.499999400e-01, v3;
	_ =	sdelay $0x1  }
0x91: {  	v4 =	vmul.f32 v2, v2;
	v3 =	vmul.f32 v3, v2;
	_ =	sdelay $0x1  }
0x92: {  	v5 =	vmul.f32 v4, v2;
	v3 =	vadd.f32 $3.333333130e-01, v3  }
0x93: {  	v1 =	vshrl.u32 v1, $0x17  }
0x94: {  	v6 =	vsel vm0, $0xFFFFFF82, v0;
	v4 =	vmul.f32 $5.000000000e-01, v4;
	v3 =	vmul.f32 v3, v5  }
0x95: {  	v1 =	vadd.s32 v1, v6  }
0x96: {  	v1 =	vcvt.s32.f32 v1;
	v3 =	vsub.f32 v3, v4;
	_ =	sdelay $0x1  }
0x97: {  	v1 =	vmul.f32 $6.931471820e-01, v1;
	v2 =	vadd.f32 v3, v2;
	_ =	sdelay $0x1  }
0x98: {  	v1 =	vadd.f32 v2, v1;
	_ =	sdelay $0x1  }
0x99: {  	s18 =	sadd.s32 $0x1, s18;
	[tilespmem:s19+$0x300] =	vst v1  }
0x9a: {  	[hbm4b:s7+s3] =	stream.linear.scatter [tilespmem:s13], [sflag:$0x6], $0x100, $0x38;
	[tilespmem:$0x400] =	vst v63  }
0x9b: {  	p0 =	sne.s32 s18, s8;
	_ =	swait.ge [sflag:s16], $0x100  }
.Ltmp2:
0x9c: {  	[sflag:s16] =	ssyncset.done $0x0;
	(pc) =	sbr.rel @p0 .LBB2_1-.Ltmp2, $4  }
0x9d: {  	[sflag:s16] =	ssyncadd.s32 $0xFFFFFF00  }
0x9e: {  	_ =	swait.ge [sflag:s17], $0x100  }
0x9f: {  	[sflag:s17] =	ssyncset.done $0x0  }
0xa0: {  	[sflag:s17] =	ssyncadd.s32 $0xFFFFFF00  }
0xa1: {  	_ =	sfence.sel $0x180000  }
0xa2: {  	[bflag:$0x0] =	sbarrier.arrive $0xFFFF  }
0xa3: {  	p0 =	sne.s32 s2, $0x0;
	_ =	strace $0x90000047  }
0xa4: {  	s0 =	sadd.s32 @!p0 $0x100000, s0;
	[bflag:$0x2] =	sbarrier.arrive $0xFFFF  }
0xa5: {  	[sflag:s0] =	ssyncadd.tile.s32 @!p0 $0x1;
	_ =	shalt  }
.Lfunc_end2:
_tile_overlayer_lowered:
.L_overlay_start_2:
0xa6: {  	(tag) =	ssettag $0x2  }
0xa7: {  	s0 =	rddreg [dreg:$0x0];
	s2 =	stileid.u32  }
0xa8: {  	s1 =	rddreg [dreg:$0x1];
	p0 =	sne.s32 s2, $0x0  }
0xa9: {  	s3 =	rddreg [dreg:$0x2];
	[bflag:$0x3] =	sbarrier.arrive $0xFFFF;
	s2 =	simm.s32 @!p0 $0x1C07  }
0xaa: {  	[timem:s3], [sflag:s2] =	dma.local @!p0 [hbm:s0], s1  }
0xab: {  	s0 =	simm.s32 @!p0 $0x7  }
0xac: {  	_ =	swait.ge @!p0 [sflag:s0], s1  }
0xad: {  	s1 =	ssub.s32 @!p0 $0x0, s1;
	[sflag:s0] =	ssyncset.done @!p0 $0x0  }
0xae: {  	[sflag:s0] =	ssyncadd.s32 @!p0 s1  }
0xaf: {  	[bflag:$0x3] =	sbarrier.arrive $0xFFFF  }
0xb0: {  	_ =	shalt  }

</sc_bundles>
